<compile_context>
chip_gen: v7x
topology: tpu7x:2x2x1
jax: 0.10.2.dev20260603
libtpu: 0.0.44.dev20260713+nightly
codegen_flags: <defaults>
</compile_context>

<pallas_src>
import functools

import jax
import jax.numpy as jnp
from jax import lax
from jax.experimental import pallas as pl
from jax.experimental.pallas import tpu as pltpu
from jax.experimental.pallas import tpu_sc as plsc

N = 100000
E = 1600000
B = 128
HIDDEN = 32
HALF = 16

ROWS = 1024
GRID = -(-N // ROWS)
PACK = ROWS // 8
NPAD = GRID * ROWS
N8P = GRID * PACK


NTILES = 16
CHUNK = 80
CHUNK_ROWS = E // CHUNK
STAGE = 40
RING = 8
LOOK = 4
NSUPER = CHUNK_ROWS // STAGE
NSUPER_PER_TILE = -(-NSUPER // NTILES)
INIT_CHUNK = 512
NINIT = NPAD // INIT_CHUNK
NINIT_PER_TILE = -(-NINIT // NTILES)


def _encoder_body(x_ref, b_ref, xg_ref, Wl_ref, bl_ref, Wg_ref, bg_ref,
                  Wm_ref, bm_ref, Wmsg_ref, bmsg_ref, Ws_ref, bs_ref,
                  m0a_ref, m0b_ref, t0a_ref, t0b_ref):
    hg_tab = jnp.maximum(
        jnp.dot(xg_ref[...], Wg_ref[...], preferred_element_type=jnp.float32)
        + bg_ref[...], 0.0)
    Wm = Wm_ref[...]
    hl = jnp.maximum(
        jnp.dot(x_ref[...], Wl_ref[...], preferred_element_type=jnp.float32)
        + bl_ref[...], 0.0)
    b = b_ref[0, :]
    onehot = (b[:, None] == lax.broadcasted_iota(jnp.int32, (ROWS, B), 1)
              ).astype(jnp.float32)
    hgl = jnp.dot(onehot, hg_tab, preferred_element_type=jnp.float32)
    hi = hl * hgl
    h0 = jnp.maximum(
        jnp.dot(hl, Wm[0:32, :], preferred_element_type=jnp.float32)
        + jnp.dot(hgl, Wm[32:64, :], preferred_element_type=jnp.float32)
        + jnp.dot(hi, Wm[64:96, :], preferred_element_type=jnp.float32)
        + bm_ref[...], 0.0)
    m0 = jnp.maximum(
        jnp.dot(h0, Wmsg_ref[...], preferred_element_type=jnp.float32)
        + bmsg_ref[...], 0.0)
    t0 = m0 + jnp.dot(h0, Ws_ref[...], preferred_element_type=jnp.float32) \
        + bs_ref[...]
    valid = (pl.program_id(0) * ROWS
             + lax.broadcasted_iota(jnp.int32, (ROWS, 1), 0)) < N
    m0 = jnp.where(valid, m0, 0.0)
    t0 = jnp.where(valid, t0, 0.0)
    for k in range(8):
        m0k = m0[PACK * k:PACK * (k + 1), :]
        t0k = t0[PACK * k:PACK * (k + 1), :]
        m0a_ref[:, HALF * k:HALF * (k + 1)] = m0k[:, 0:HALF]
        m0b_ref[:, HALF * k:HALF * (k + 1)] = m0k[:, HALF:HIDDEN]
        t0a_ref[:, HALF * k:HALF * (k + 1)] = t0k[:, 0:HALF]
        t0b_ref[:, HALF * k:HALF * (k + 1)] = t0k[:, HALF:HIDDEN]


def _encoder(x_local, batch3, x_global, W_local, b_local, W_global, b_global,
             W_mix, b_mix, W_msg, b_msg, W_self, b_self):
    full = lambda shape: pl.BlockSpec(shape, lambda i: (0,) * len(shape))
    out = jax.ShapeDtypeStruct((N8P, 128), jnp.float32)
    return pl.pallas_call(
        _encoder_body,
        grid=(GRID,),
        in_specs=[
            pl.BlockSpec((ROWS, 128), lambda i: (i, 0)),
            pl.BlockSpec((1, ROWS), lambda i: (0, i)),
            full((B, 64)), full((128, HIDDEN)), full((1, HIDDEN)),
            full((64, HIDDEN)), full((1, HIDDEN)),
            full((96, HIDDEN)), full((1, HIDDEN)),
            full((HIDDEN, HIDDEN)), full((1, HIDDEN)),
            full((HIDDEN, HIDDEN)), full((1, HIDDEN)),
        ],
        out_specs=[pl.BlockSpec((PACK, 128), lambda i: (i, 0))] * 4,
        out_shape=[out, out, out, out],
    )(x_local, batch3, x_global, W_local, b_local, W_global, b_global,
      W_mix, b_mix, W_msg, b_msg, W_self, b_self)


def _sc_scatter(edges3, m0a, m0b, t0a, t0b):
    mesh = plsc.VectorSubcoreMesh(core_axis_name="c", subcore_axis_name="s")

    @functools.partial(
        pl.kernel, mesh=mesh,
        compiler_params=pltpu.CompilerParams(use_tc_tiling_on_sc=False),
        out_type=[jax.ShapeDtypeStruct((NPAD, HALF), jnp.float32),
                  jax.ShapeDtypeStruct((NPAD, HALF), jnp.float32)],
        scratch_types=[
            pltpu.VMEM((STAGE, CHUNK), jnp.int32),
            pltpu.VMEM((STAGE, CHUNK), jnp.int32),
            pltpu.VMEM((RING, CHUNK, HALF), jnp.float32),
            pltpu.VMEM((INIT_CHUNK, HALF), jnp.float32),
            pltpu.VMEM_SHARED((NPAD, HALF), jnp.float32),
            pltpu.SemaphoreType.DMA((RING,)),
            pltpu.SemaphoreType.DMA((RING,)),
        ],
    )
    def sc_fn(e3, m0a_h, m0b_h, t0a_h, t0b_h, outa_h, outb_h,
              src_v, dst_v, rows_v, bounce_v, acc_sh, sem_g, sem_s):
        c = lax.axis_index("c")
        s = lax.axis_index("s")

        def run(table_h, t0_h, out_h):
            def init_k(k, _):
                idx = s + k * NTILES

                @pl.when(idx < NINIT)
                def _():
                    r0 = pl.multiple_of(idx * INIT_CHUNK, 8)
                    pltpu.sync_copy(t0_h.at[pl.ds(r0, INIT_CHUNK), :],
                                    bounce_v)
                    pltpu.sync_copy(bounce_v,
                                    acc_sh.at[pl.ds(r0, INIT_CHUNK), :])
                return _
            lax.fori_loop(0, NINIT_PER_TILE, init_k, None)
            plsc.subcore_barrier()

            def super_k(g, _):
                idx = s + g * NTILES

                @pl.when(idx < NSUPER)
                def _():
                    row0 = pl.multiple_of(idx * STAGE, 8)
                    pltpu.sync_copy(e3.at[0, pl.ds(row0, STAGE), :], src_v)
                    pltpu.sync_copy(e3.at[1, pl.ds(row0, STAGE), :], dst_v)

                    for c in range(LOOK):
                        pltpu.async_copy(table_h.at[src_v.at[c]],
                                         rows_v.at[c], sem_g.at[c])

                    def chunk_k(j, _):
                        bslot = j % RING
                        pltpu.make_async_copy(table_h.at[src_v.at[j]],
                                              rows_v.at[bslot],
                                              sem_g.at[bslot]).wait()
                        pltpu.async_copy(rows_v.at[bslot],
                                         acc_sh.at[dst_v.at[j]],
                                         sem_s.at[bslot], add=True)

                        @pl.when(j + LOOK < STAGE)
                        def _():
                            nslot = (j + LOOK) % RING
                            @pl.when(j >= LOOK)
                            def _():
                                pltpu.make_async_copy(
                                    rows_v.at[nslot],
                                    acc_sh.at[dst_v.at[j - LOOK]],
                                    sem_s.at[nslot]).wait()
                            pltpu.async_copy(table_h.at[src_v.at[j + LOOK]],
                                             rows_v.at[nslot],
                                             sem_g.at[nslot])
                        return _
                    lax.fori_loop(0, STAGE, chunk_k, None)
                    for c in range(STAGE - 2 * LOOK, STAGE):
                        pltpu.make_async_copy(rows_v.at[c % RING],
                                              acc_sh.at[dst_v.at[c]],
                                              sem_s.at[c % RING]).wait()
                return _
            lax.fori_loop(0, NSUPER_PER_TILE, super_k, None)
            plsc.subcore_barrier()

            def wb_k(k, _):
                idx = s + k * NTILES

                @pl.when(idx < NINIT)
                def _():
                    r0 = pl.multiple_of(idx * INIT_CHUNK, 8)
                    pltpu.sync_copy(acc_sh.at[pl.ds(r0, INIT_CHUNK), :],
                                    bounce_v)
                    pltpu.sync_copy(bounce_v,
                                    out_h.at[pl.ds(r0, INIT_CHUNK), :])
                return _
            lax.fori_loop(0, NINIT_PER_TILE, wb_k, None)

        @pl.when(c == 0)
        def _():
            run(m0a_h, t0a_h, outa_h)

        @pl.when(c == 1)
        def _():
            run(m0b_h, t0b_h, outb_h)

    return sc_fn(edges3, m0a, m0b, t0a, t0b)


def _head_body(aa_ref, ab_ref, Wa_ref, Wb_ref, bo_ref, out_ref):
    tile = (
        jnp.dot(jnp.maximum(aa_ref[...], 0.0), Wa_ref[...],
                preferred_element_type=jnp.float32)
        + jnp.dot(jnp.maximum(ab_ref[...], 0.0), Wb_ref[...],
                  preferred_element_type=jnp.float32)
        + bo_ref[...])
    for k in range(8):
        out_ref[PACK * k:PACK * (k + 1), :] = tile[:, 2 * k:2 * k + 2]


def _head(acca8, accb8, Wa_blk, Wb_blk, bo_tile):
    full = lambda shape: pl.BlockSpec(shape, lambda i: (0,) * len(shape))
    return pl.pallas_call(
        _head_body,
        grid=(GRID,),
        in_specs=[
            pl.BlockSpec((PACK, 128), lambda i: (i, 0)),
            pl.BlockSpec((PACK, 128), lambda i: (i, 0)),
            full((128, 16)), full((128, 16)), full((1, 16)),
        ],
        out_specs=pl.BlockSpec((ROWS, 2), lambda i: (i, 0)),
        out_shape=jax.ShapeDtypeStruct((N, 2), jnp.float32),
    )(acca8, accb8, Wa_blk, Wb_blk, bo_tile)


def kernel(x_local, x_global, edge_index, batch, W_local, b_local, W_global,
           b_global, W_mix, b_mix, W_msg, b_msg, W_self, b_self, W_out, b_out):
    batch2 = batch.reshape(1, N)
    ge = ((edge_index & ~1023) | ((edge_index & 127) << 3)
          | ((edge_index >> 7) & 7))
    edges3 = ge.reshape(2, CHUNK_ROWS, CHUNK)
    m0a8, m0b8, t0a8, t0b8 = _encoder(
        x_local, batch2, x_global, W_local, b_local.reshape(1, HIDDEN),
        W_global, b_global.reshape(1, HIDDEN), W_mix, b_mix.reshape(1, HIDDEN),
        W_msg, b_msg.reshape(1, HIDDEN), W_self, b_self.reshape(1, HIDDEN))
    acca, accb = _sc_scatter(edges3,
                             m0a8.reshape(NPAD, HALF), m0b8.reshape(NPAD, HALF),
                             t0a8.reshape(NPAD, HALF), t0b8.reshape(NPAD, HALF))
    Wa_blk = jax.scipy.linalg.block_diag(*([W_out[:HALF]] * 8))
    Wb_blk = jax.scipy.linalg.block_diag(*([W_out[HALF:]] * 8))
    return _head(acca.reshape(N8P, 128), accb.reshape(N8P, 128),
                 Wa_blk, Wb_blk, jnp.tile(b_out, 8).reshape(1, 16))

# --- scband reference (transcript-rebuilt; emitter-appended) ---
"""Pipeline reference for scband-mixed-gnn-11974368821437 (READ-ONLY COPY).

The authoritative reference and input builder live on the scoring server;
editing this copy changes nothing except your own understanding.
"""

import jax, jax.numpy as jnp
import numpy as np

N = 100000
E = 1600000
B = 128
IN_LOCAL = 128
IN_GLOBAL = 64
HIDDEN = 32
NUM_CLASSES = 2


def setup_inputs(seed: int = 0) -> dict:
    key = jax.random.key(seed)
    ks = jax.random.split(key, 16)
    x_local = jax.random.normal(ks[0], (N, IN_LOCAL), dtype=jnp.float32)
    x_global = jax.random.normal(ks[1], (B, IN_GLOBAL), dtype=jnp.float32)
    edge_index = jax.random.randint(ks[2], (2, E), 0, N, dtype=jnp.int32)
    batch = jnp.sort(jax.random.randint(ks[3], (N,), 0, B, dtype=jnp.int32))
    W_local = jax.random.normal(ks[4], (IN_LOCAL, HIDDEN), dtype=jnp.float32) / np.sqrt(IN_LOCAL)
    b_local = jnp.zeros((HIDDEN,), dtype=jnp.float32)
    W_global = jax.random.normal(ks[5], (IN_GLOBAL, HIDDEN), dtype=jnp.float32) / np.sqrt(IN_GLOBAL)
    b_global = jnp.zeros((HIDDEN,), dtype=jnp.float32)
    W_mix = jax.random.normal(ks[6], (3 * HIDDEN, HIDDEN), dtype=jnp.float32) / np.sqrt(3 * HIDDEN)
    b_mix = jnp.zeros((HIDDEN,), dtype=jnp.float32)
    W_msg = jax.random.normal(ks[7], (HIDDEN, HIDDEN), dtype=jnp.float32) / np.sqrt(HIDDEN)
    b_msg = jnp.zeros((HIDDEN,), dtype=jnp.float32)
    W_self = jax.random.normal(ks[8], (HIDDEN, HIDDEN), dtype=jnp.float32) / np.sqrt(HIDDEN)
    b_self = jnp.zeros((HIDDEN,), dtype=jnp.float32)
    W_out = jax.random.normal(ks[9], (HIDDEN, NUM_CLASSES), dtype=jnp.float32) / np.sqrt(HIDDEN)
    b_out = jnp.zeros((NUM_CLASSES,), dtype=jnp.float32)
    return {
        'x_local': x_local, 'x_global': x_global, 'edge_index': edge_index, 'batch': batch,
        'W_local': W_local, 'b_local': b_local, 'W_global': W_global, 'b_global': b_global,
        'W_mix': W_mix, 'b_mix': b_mix, 'W_msg': W_msg, 'b_msg': b_msg,
        'W_self': W_self, 'b_self': b_self, 'W_out': W_out, 'b_out': b_out,
    }


def reference(x_local, x_global, edge_index, batch, W_local, b_local, W_global, b_global,
              W_mix, b_mix, W_msg, b_msg, W_self, b_self, W_out, b_out):
    # --- MixedSelectivityNodeEncoder ---
    h_local = jax.nn.relu(x_local @ W_local + b_local)
    h_global_graph = jax.nn.relu(x_global @ W_global + b_global)
    h_global = jnp.take(h_global_graph, batch, axis=0)  # broadcast per-graph global to nodes
    h_int = h_local * h_global
    h_cat = jnp.concatenate([h_local, h_global, h_int], axis=-1)
    h0 = jax.nn.relu(h_cat @ W_mix + b_mix)
    # --- MixedSelectivityGNNLayer (aggr='add', add_self_loops) ---
    n = h0.shape[0]
    loops = jnp.arange(n, dtype=edge_index.dtype)
    src = jnp.concatenate([edge_index[0], loops])
    dst = jnp.concatenate([edge_index[1], loops])
    x_j = jnp.take(h0, src, axis=0)
    msg = jax.nn.relu(x_j @ W_msg + b_msg)
    aggr_out = jax.ops.segment_sum(msg, dst, num_segments=n)
    h = jax.nn.relu(aggr_out + h0 @ W_self + b_self)
    # --- output head ---
    logits = h @ W_out + b_out
    return logits

if __name__ == "__main__":
    import jax
    _d = setup_inputs()
    print(jax.jit(kernel)(*tuple(_d.values())))

</pallas_src>

<mosaic_0001>
#map = affine_map<(d0, d1) -> (0, 0, 0)>
#map1 = affine_map<(d0, d1) -> (0, 0)>
module attributes {stable_mosaic.version = 14 : i64} {
  func.func @sc_fn(%arg0: i32, %arg1: i32, %arg2: memref<2x20000x80xi32, #tpu.memory_space<hbm>>, %arg3: memref<100352x16xf32, #tpu.memory_space<hbm>>, %arg4: memref<100352x16xf32, #tpu.memory_space<hbm>>, %arg5: memref<100352x16xf32, #tpu.memory_space<hbm>>, %arg6: memref<100352x16xf32, #tpu.memory_space<hbm>>, %arg7: memref<100352x16xf32, #tpu.memory_space<hbm>>, %arg8: memref<100352x16xf32, #tpu.memory_space<hbm>>, %arg9: memref<40x80xi32, #tpu.memory_space<vmem>>, %arg10: memref<40x80xi32, #tpu.memory_space<vmem>>, %arg11: memref<8x80x16xf32, #tpu.memory_space<vmem>>, %arg12: memref<512x16xf32, #tpu.memory_space<vmem>>, %arg13: memref<100352x16xf32, #tpu.memory_space<vmem_shared>>, %arg14: memref<8x!tpu.dma_semaphore, #tpu.memory_space<semaphore_mem>>, %arg15: memref<8x!tpu.dma_semaphore, #tpu.memory_space<semaphore_mem>>) attributes {dimension_semantics = [#tpu.dimension_semantics<core_parallel>, #tpu.dimension_semantics<subcore_parallel>], iteration_bounds = array<i64: 2, 16>, scalar_prefetch = 0 : i64, scratch_operands = 7 : i64, tpu.core_type = #tpu.core_type<sc_vector_subcore>, window_params = [{transform_indices = #map}, {transform_indices = #map1}, {transform_indices = #map1}, {transform_indices = #map1}, {transform_indices = #map1}, {transform_indices = #map1}, {transform_indices = #map1}]} {
    %eq3A = arith.constant 0 : i32
    %eq3A_0 = arith.cmpi eq, %arg0, %eq3A : i32
    %convert_element_type3A = arith.extui %eq3A_0 : i1 to i32
    %cond3A = arith.constant 0 : i32
    %cond3A_1 = arith.cmpi ne, %convert_element_type3A, %cond3A : i32
    scf.if %cond3A_1 {
      %scan3A = arith.constant 0 : i32
      %scan3A_7 = arith.constant 13 : i32
      %scan3A_8 = arith.addi %scan3A, %scan3A_7 : i32
      %scan3A_9 = arith.constant 1 : i32
      scf.for %scan3A_22 = %scan3A to %scan3A_8 step %scan3A_9  : i32 {
        %mul3A = arith.constant 16 : i32
        %mul3A_23 = arith.muli %scan3A_22, %mul3A : i32
        %add3A = arith.addi %arg1, %mul3A_23 : i32
        %lt3A = arith.constant 196 : i32
        %lt3A_24 = arith.cmpi slt, %add3A, %lt3A : i32
        %convert_element_type3A_25 = arith.extui %lt3A_24 : i1 to i32
        %cond3A_26 = arith.constant 0 : i32
        %cond3A_27 = arith.cmpi ne, %convert_element_type3A_25, %cond3A_26 : i32
        scf.if %cond3A_27 {
          %mul3A_28 = arith.constant 512 : i32
          %mul3A_29 = arith.muli %add3A, %mul3A_28 : i32
          %multiple_of3A = tpu.assume_multiple %mul3A_29, 8 : i32
          "tpu.region"() ({
            %run_scoped3A = tpu.sem_alloc : memref<!tpu.dma_semaphore, #tpu.memory_space<semaphore_mem>>
            %dma_start3A = arith.constant 0 : i32
            %dma_start3A_30 = tpu.memref_slice %arg5[%multiple_of3A, %dma_start3A] : memref<100352x16xf32, #tpu.memory_space<hbm>> -> memref<512x16xf32, #tpu.memory_space<hbm>>
            %dma_start3A_31 = arith.constant 0 : i32
            %dma_start3A_32 = tpu.memref_slice %arg5[%multiple_of3A, %dma_start3A_31] : memref<100352x16xf32, #tpu.memory_space<hbm>> -> memref<512x16xf32, #tpu.memory_space<hbm>>
            tpu.enqueue_dma source(%dma_start3A_32 : memref<512x16xf32, #tpu.memory_space<hbm>>) target(%arg12 : memref<512x16xf32, #tpu.memory_space<vmem>>) target_semaphore(%run_scoped3A : memref<!tpu.dma_semaphore, #tpu.memory_space<semaphore_mem>>)
            %dma_wait3A = arith.constant 0 : i32
            %dma_wait3A_33 = tpu.memref_slice %arg5[%multiple_of3A, %dma_wait3A] : memref<100352x16xf32, #tpu.memory_space<hbm>> -> memref<512x16xf32, #tpu.memory_space<hbm>>
            %dma_wait3A_34 = arith.constant 0 : i32
            %dma_wait3A_35 = tpu.memref_slice %arg5[%multiple_of3A, %dma_wait3A_34] : memref<100352x16xf32, #tpu.memory_space<hbm>> -> memref<512x16xf32, #tpu.memory_space<hbm>>
            tpu.wait_dma2 semaphore(%run_scoped3A : memref<!tpu.dma_semaphore, #tpu.memory_space<semaphore_mem>>) src(%dma_wait3A_35 : memref<512x16xf32, #tpu.memory_space<hbm>>) dst(%arg12 : memref<512x16xf32, #tpu.memory_space<vmem>>)
            tpu.yield
          }) : () -> ()
          "tpu.region"() ({
            %run_scoped3A = tpu.sem_alloc : memref<!tpu.dma_semaphore, #tpu.memory_space<semaphore_mem>>
            %dma_start3A = arith.constant 0 : i32
            %dma_start3A_30 = tpu.memref_slice %arg13[%multiple_of3A, %dma_start3A] : memref<100352x16xf32, #tpu.memory_space<vmem_shared>> -> memref<512x16xf32, #tpu.memory_space<vmem_shared>>
            %dma_start3A_31 = arith.constant 0 : i32
            %dma_start3A_32 = tpu.memref_slice %arg13[%multiple_of3A, %dma_start3A_31] : memref<100352x16xf32, #tpu.memory_space<vmem_shared>> -> memref<512x16xf32, #tpu.memory_space<vmem_shared>>
            tpu.enqueue_dma source(%arg12 : memref<512x16xf32, #tpu.memory_space<vmem>>) target(%dma_start3A_32 : memref<512x16xf32, #tpu.memory_space<vmem_shared>>) target_semaphore(%run_scoped3A : memref<!tpu.dma_semaphore, #tpu.memory_space<semaphore_mem>>)
            %dma_wait3A = arith.constant 0 : i32
            %dma_wait3A_33 = tpu.memref_slice %arg13[%multiple_of3A, %dma_wait3A] : memref<100352x16xf32, #tpu.memory_space<vmem_shared>> -> memref<512x16xf32, #tpu.memory_space<vmem_shared>>
            %dma_wait3A_34 = arith.constant 0 : i32
            %dma_wait3A_35 = tpu.memref_slice %arg13[%multiple_of3A, %dma_wait3A_34] : memref<100352x16xf32, #tpu.memory_space<vmem_shared>> -> memref<512x16xf32, #tpu.memory_space<vmem_shared>>
            tpu.wait_dma2 semaphore(%run_scoped3A : memref<!tpu.dma_semaphore, #tpu.memory_space<semaphore_mem>>) src(%arg12 : memref<512x16xf32, #tpu.memory_space<vmem>>) dst(%dma_wait3A_35 : memref<512x16xf32, #tpu.memory_space<vmem_shared>>)
            tpu.yield
          }) : () -> ()
        } else {
        }
      }
      %scan3A_10 = arith.constant 13 : i32
      %barrier3A = arith.constant 0 : index
      tpu.barrier barrier_id(%barrier3A)
      %scan3A_11 = arith.constant 0 : i32
      %scan3A_12 = arith.constant 32 : i32
      %scan3A_13 = arith.addi %scan3A_11, %scan3A_12 : i32
      %scan3A_14 = arith.constant 1 : i32
      scf.for %scan3A_22 = %scan3A_11 to %scan3A_13 step %scan3A_14  : i32 {
        %mul3A = arith.constant 16 : i32
        %mul3A_23 = arith.muli %scan3A_22, %mul3A : i32
        %add3A = arith.addi %arg1, %mul3A_23 : i32
        %lt3A = arith.constant 500 : i32
        %lt3A_24 = arith.cmpi slt, %add3A, %lt3A : i32
        %convert_element_type3A_25 = arith.extui %lt3A_24 : i1 to i32
        %cond3A_26 = arith.constant 0 : i32
        %cond3A_27 = arith.cmpi ne, %convert_element_type3A_25, %cond3A_26 : i32
        scf.if %cond3A_27 {
          %mul3A_28 = arith.constant 40 : i32
          %mul3A_29 = arith.muli %add3A, %mul3A_28 : i32
          %multiple_of3A = tpu.assume_multiple %mul3A_29, 8 : i32
          %run_scoped3A = arith.constant 0 : i32
          "tpu.region"() ({
            %run_scoped3A_214 = tpu.sem_alloc : memref<!tpu.dma_semaphore, #tpu.memory_space<semaphore_mem>>
            %dma_start3A_215 = arith.constant 0 : i32
            %dma_start3A_216 = tpu.memref_slice %arg2[%run_scoped3A, %multiple_of3A, %dma_start3A_215] : memref<2x20000x80xi32, #tpu.memory_space<hbm>> -> memref<1x40x80xi32, #tpu.memory_space<hbm>>
            %dma_start3A_217 = tpu.memref_squeeze %dma_start3A_216 : memref<1x40x80xi32, #tpu.memory_space<hbm>> -> memref<40x80xi32, #tpu.memory_space<hbm>>
            %dma_start3A_218 = arith.constant 0 : i32
            %dma_start3A_219 = tpu.memref_slice %arg2[%run_scoped3A, %multiple_of3A, %dma_start3A_218] : memref<2x20000x80xi32, #tpu.memory_space<hbm>> -> memref<1x40x80xi32, #tpu.memory_space<hbm>>
            %dma_start3A_220 = tpu.memref_squeeze %dma_start3A_219 : memref<1x40x80xi32, #tpu.memory_space<hbm>> -> memref<40x80xi32, #tpu.memory_space<hbm>>
            tpu.enqueue_dma source(%dma_start3A_220 : memref<40x80xi32, #tpu.memory_space<hbm>>) target(%arg9 : memref<40x80xi32, #tpu.memory_space<vmem>>) target_semaphore(%run_scoped3A_214 : memref<!tpu.dma_semaphore, #tpu.memory_space<semaphore_mem>>)
            %dma_wait3A_221 = arith.constant 0 : i32
            %dma_wait3A_222 = tpu.memref_slice %arg2[%run_scoped3A, %multiple_of3A, %dma_wait3A_221] : memref<2x20000x80xi32, #tpu.memory_space<hbm>> -> memref<1x40x80xi32, #tpu.memory_space<hbm>>
            %dma_wait3A_223 = tpu.memref_squeeze %dma_wait3A_222 : memref<1x40x80xi32, #tpu.memory_space<hbm>> -> memref<40x80xi32, #tpu.memory_space<hbm>>
            %dma_wait3A_224 = arith.constant 0 : i32
            %dma_wait3A_225 = tpu.memref_slice %arg2[%run_scoped3A, %multiple_of3A, %dma_wait3A_224] : memref<2x20000x80xi32, #tpu.memory_space<hbm>> -> memref<1x40x80xi32, #tpu.memory_space<hbm>>
            %dma_wait3A_226 = tpu.memref_squeeze %dma_wait3A_225 : memref<1x40x80xi32, #tpu.memory_space<hbm>> -> memref<40x80xi32, #tpu.memory_space<hbm>>
            tpu.wait_dma2 semaphore(%run_scoped3A_214 : memref<!tpu.dma_semaphore, #tpu.memory_space<semaphore_mem>>) src(%dma_wait3A_226 : memref<40x80xi32, #tpu.memory_space<hbm>>) dst(%arg9 : memref<40x80xi32, #tpu.memory_space<vmem>>)
            tpu.yield
          }) : () -> ()
          %run_scoped3A_30 = arith.constant 1 : i32
          "tpu.region"() ({
            %run_scoped3A_214 = tpu.sem_alloc : memref<!tpu.dma_semaphore, #tpu.memory_space<semaphore_mem>>
            %dma_start3A_215 = arith.constant 0 : i32
            %dma_start3A_216 = tpu.memref_slice %arg2[%run_scoped3A_30, %multiple_of3A, %dma_start3A_215] : memref<2x20000x80xi32, #tpu.memory_space<hbm>> -> memref<1x40x80xi32, #tpu.memory_space<hbm>>
            %dma_start3A_217 = tpu.memref_squeeze %dma_start3A_216 : memref<1x40x80xi32, #tpu.memory_space<hbm>> -> memref<40x80xi32, #tpu.memory_space<hbm>>
            %dma_start3A_218 = arith.constant 0 : i32
            %dma_start3A_219 = tpu.memref_slice %arg2[%run_scoped3A_30, %multiple_of3A, %dma_start3A_218] : memref<2x20000x80xi32, #tpu.memory_space<hbm>> -> memref<1x40x80xi32, #tpu.memory_space<hbm>>
            %dma_start3A_220 = tpu.memref_squeeze %dma_start3A_219 : memref<1x40x80xi32, #tpu.memory_space<hbm>> -> memref<40x80xi32, #tpu.memory_space<hbm>>
            tpu.enqueue_dma source(%dma_start3A_220 : memref<40x80xi32, #tpu.memory_space<hbm>>) target(%arg10 : memref<40x80xi32, #tpu.memory_space<vmem>>) target_semaphore(%run_scoped3A_214 : memref<!tpu.dma_semaphore, #tpu.memory_space<semaphore_mem>>)
            %dma_wait3A_221 = arith.constant 0 : i32
            %dma_wait3A_222 = tpu.memref_slice %arg2[%run_scoped3A_30, %multiple_of3A, %dma_wait3A_221] : memref<2x20000x80xi32, #tpu.memory_space<hbm>> -> memref<1x40x80xi32, #tpu.memory_space<hbm>>
            %dma_wait3A_223 = tpu.memref_squeeze %dma_wait3A_222 : memref<1x40x80xi32, #tpu.memory_space<hbm>> -> memref<40x80xi32, #tpu.memory_space<hbm>>
            %dma_wait3A_224 = arith.constant 0 : i32
            %dma_wait3A_225 = tpu.memref_slice %arg2[%run_scoped3A_30, %multiple_of3A, %dma_wait3A_224] : memref<2x20000x80xi32, #tpu.memory_space<hbm>> -> memref<1x40x80xi32, #tpu.memory_space<hbm>>
            %dma_wait3A_226 = tpu.memref_squeeze %dma_wait3A_225 : memref<1x40x80xi32, #tpu.memory_space<hbm>> -> memref<40x80xi32, #tpu.memory_space<hbm>>
            tpu.wait_dma2 semaphore(%run_scoped3A_214 : memref<!tpu.dma_semaphore, #tpu.memory_space<semaphore_mem>>) src(%dma_wait3A_226 : memref<40x80xi32, #tpu.memory_space<hbm>>) dst(%arg10 : memref<40x80xi32, #tpu.memory_space<vmem>>)
            tpu.yield
          }) : () -> ()
          %dma_start3A = arith.constant 0 : i32
          %dma_start3A_31 = arith.constant 0 : i32
          %dma_start3A_32 = arith.constant 0 : i32
          %dma_start3A_33 = arith.constant 0 : i32
          %dma_start3A_34 = arith.constant 0 : i32
          %dma_start3A_35 = tpu.memref_slice %arg11[%dma_start3A_31, %dma_start3A_33, %dma_start3A_34] : memref<8x80x16xf32, #tpu.memory_space<vmem>> -> memref<1x80x16xf32, #tpu.memory_space<vmem>>
          %dma_start3A_36 = tpu.memref_squeeze %dma_start3A_35 : memref<1x80x16xf32, #tpu.memory_space<vmem>> -> memref<80x16xf32, #tpu.memory_space<vmem>>
          %dma_start3A_37 = arith.constant 0 : i32
          %dma_start3A_38 = tpu.memref_slice %arg9[%dma_start3A, %dma_start3A_37] : memref<40x80xi32, #tpu.memory_space<vmem>> -> memref<1x80xi32, #tpu.memory_space<vmem>>
          %dma_start3A_39 = tpu.memref_squeeze %dma_start3A_38 : memref<1x80xi32, #tpu.memory_space<vmem>> -> memref<80xi32, #tpu.memory_space<vmem>>
          %dma_start3A_40 = arith.constant 0 : i32
          %dma_start3A_41 = arith.constant 0 : i32
          %dma_start3A_42 = tpu.memref_slice %arg3[%dma_start3A_40, %dma_start3A_41] : memref<100352x16xf32, #tpu.memory_space<hbm>> -> memref<100352x16xf32, #tpu.memory_space<hbm>>
          %dma_start3A_43 = tpu.memref_slice %arg14[%dma_start3A_32] : memref<8x!tpu.dma_semaphore, #tpu.memory_space<semaphore_mem>> -> memref<1x!tpu.dma_semaphore, #tpu.memory_space<semaphore_mem>>
          %dma_start3A_44 = tpu.memref_squeeze %dma_start3A_43 : memref<1x!tpu.dma_semaphore, #tpu.memory_space<semaphore_mem>> -> memref<!tpu.dma_semaphore, #tpu.memory_space<semaphore_mem>>
          tpu.enqueue_indirect_dma source(%dma_start3A_42 : memref<100352x16xf32, #tpu.memory_space<hbm>>) target(%dma_start3A_36 : memref<80x16xf32, #tpu.memory_space<vmem>>) offsets(%dma_start3A_39 : memref<80xi32, #tpu.memory_space<vmem>>) semaphore(%dma_start3A_44 : memref<!tpu.dma_semaphore, #tpu.memory_space<semaphore_mem>>)
          %dma_start3A_45 = arith.constant 1 : i32
          %dma_start3A_46 = arith.constant 1 : i32
          %dma_start3A_47 = arith.constant 1 : i32
          %dma_start3A_48 = arith.constant 0 : i32
          %dma_start3A_49 = arith.constant 0 : i32
          %dma_start3A_50 = tpu.memref_slice %arg11[%dma_start3A_46, %dma_start3A_48, %dma_start3A_49] : memref<8x80x16xf32, #tpu.memory_space<vmem>> -> memref<1x80x16xf32, #tpu.memory_space<vmem>>
          %dma_start3A_51 = tpu.memref_squeeze %dma_start3A_50 : memref<1x80x16xf32, #tpu.memory_space<vmem>> -> memref<80x16xf32, #tpu.memory_space<vmem>>
          %dma_start3A_52 = arith.constant 0 : i32
          %dma_start3A_53 = tpu.memref_slice %arg9[%dma_start3A_45, %dma_start3A_52] : memref<40x80xi32, #tpu.memory_space<vmem>> -> memref<1x80xi32, #tpu.memory_space<vmem>>
          %dma_start3A_54 = tpu.memref_squeeze %dma_start3A_53 : memref<1x80xi32, #tpu.memory_space<vmem>> -> memref<80xi32, #tpu.memory_space<vmem>>
          %dma_start3A_55 = arith.constant 0 : i32
          %dma_start3A_56 = arith.constant 0 : i32
          %dma_start3A_57 = tpu.memref_slice %arg3[%dma_start3A_55, %dma_start3A_56] : memref<100352x16xf32, #tpu.memory_space<hbm>> -> memref<100352x16xf32, #tpu.memory_space<hbm>>
          %dma_start3A_58 = tpu.memref_slice %arg14[%dma_start3A_47] : memref<8x!tpu.dma_semaphore, #tpu.memory_space<semaphore_mem>> -> memref<1x!tpu.dma_semaphore, #tpu.memory_space<semaphore_mem>>
          %dma_start3A_59 = tpu.memref_squeeze %dma_start3A_58 : memref<1x!tpu.dma_semaphore, #tpu.memory_space<semaphore_mem>> -> memref<!tpu.dma_semaphore, #tpu.memory_space<semaphore_mem>>
          tpu.enqueue_indirect_dma source(%dma_start3A_57 : memref<100352x16xf32, #tpu.memory_space<hbm>>) target(%dma_start3A_51 : memref<80x16xf32, #tpu.memory_space<vmem>>) offsets(%dma_start3A_54 : memref<80xi32, #tpu.memory_space<vmem>>) semaphore(%dma_start3A_59 : memref<!tpu.dma_semaphore, #tpu.memory_space<semaphore_mem>>)
          %dma_start3A_60 = arith.constant 2 : i32
          %dma_start3A_61 = arith.constant 2 : i32
          %dma_start3A_62 = arith.constant 2 : i32
          %dma_start3A_63 = arith.constant 0 : i32
          %dma_start3A_64 = arith.constant 0 : i32
          %dma_start3A_65 = tpu.memref_slice %arg11[%dma_start3A_61, %dma_start3A_63, %dma_start3A_64] : memref<8x80x16xf32, #tpu.memory_space<vmem>> -> memref<1x80x16xf32, #tpu.memory_space<vmem>>
          %dma_start3A_66 = tpu.memref_squeeze %dma_start3A_65 : memref<1x80x16xf32, #tpu.memory_space<vmem>> -> memref<80x16xf32, #tpu.memory_space<vmem>>
          %dma_start3A_67 = arith.constant 0 : i32
          %dma_start3A_68 = tpu.memref_slice %arg9[%dma_start3A_60, %dma_start3A_67] : memref<40x80xi32, #tpu.memory_space<vmem>> -> memref<1x80xi32, #tpu.memory_space<vmem>>
          %dma_start3A_69 = tpu.memref_squeeze %dma_start3A_68 : memref<1x80xi32, #tpu.memory_space<vmem>> -> memref<80xi32, #tpu.memory_space<vmem>>
          %dma_start3A_70 = arith.constant 0 : i32
          %dma_start3A_71 = arith.constant 0 : i32
          %dma_start3A_72 = tpu.memref_slice %arg3[%dma_start3A_70, %dma_start3A_71] : memref<100352x16xf32, #tpu.memory_space<hbm>> -> memref<100352x16xf32, #tpu.memory_space<hbm>>
          %dma_start3A_73 = tpu.memref_slice %arg14[%dma_start3A_62] : memref<8x!tpu.dma_semaphore, #tpu.memory_space<semaphore_mem>> -> memref<1x!tpu.dma_semaphore, #tpu.memory_space<semaphore_mem>>
          %dma_start3A_74 = tpu.memref_squeeze %dma_start3A_73 : memref<1x!tpu.dma_semaphore, #tpu.memory_space<semaphore_mem>> -> memref<!tpu.dma_semaphore, #tpu.memory_space<semaphore_mem>>
          tpu.enqueue_indirect_dma source(%dma_start3A_72 : memref<100352x16xf32, #tpu.memory_space<hbm>>) target(%dma_start3A_66 : memref<80x16xf32, #tpu.memory_space<vmem>>) offsets(%dma_start3A_69 : memref<80xi32, #tpu.memory_space<vmem>>) semaphore(%dma_start3A_74 : memref<!tpu.dma_semaphore, #tpu.memory_space<semaphore_mem>>)
          %dma_start3A_75 = arith.constant 3 : i32
          %dma_start3A_76 = arith.constant 3 : i32
          %dma_start3A_77 = arith.constant 3 : i32
          %dma_start3A_78 = arith.constant 0 : i32
          %dma_start3A_79 = arith.constant 0 : i32
          %dma_start3A_80 = tpu.memref_slice %arg11[%dma_start3A_76, %dma_start3A_78, %dma_start3A_79] : memref<8x80x16xf32, #tpu.memory_space<vmem>> -> memref<1x80x16xf32, #tpu.memory_space<vmem>>
          %dma_start3A_81 = tpu.memref_squeeze %dma_start3A_80 : memref<1x80x16xf32, #tpu.memory_space<vmem>> -> memref<80x16xf32, #tpu.memory_space<vmem>>
          %dma_start3A_82 = arith.constant 0 : i32
          %dma_start3A_83 = tpu.memref_slice %arg9[%dma_start3A_75, %dma_start3A_82] : memref<40x80xi32, #tpu.memory_space<vmem>> -> memref<1x80xi32, #tpu.memory_space<vmem>>
          %dma_start3A_84 = tpu.memref_squeeze %dma_start3A_83 : memref<1x80xi32, #tpu.memory_space<vmem>> -> memref<80xi32, #tpu.memory_space<vmem>>
          %dma_start3A_85 = arith.constant 0 : i32
          %dma_start3A_86 = arith.constant 0 : i32
          %dma_start3A_87 = tpu.memref_slice %arg3[%dma_start3A_85, %dma_start3A_86] : memref<100352x16xf32, #tpu.memory_space<hbm>> -> memref<100352x16xf32, #tpu.memory_space<hbm>>
          %dma_start3A_88 = tpu.memref_slice %arg14[%dma_start3A_77] : memref<8x!tpu.dma_semaphore, #tpu.memory_space<semaphore_mem>> -> memref<1x!tpu.dma_semaphore, #tpu.memory_space<semaphore_mem>>
          %dma_start3A_89 = tpu.memref_squeeze %dma_start3A_88 : memref<1x!tpu.dma_semaphore, #tpu.memory_space<semaphore_mem>> -> memref<!tpu.dma_semaphore, #tpu.memory_space<semaphore_mem>>
          tpu.enqueue_indirect_dma source(%dma_start3A_87 : memref<100352x16xf32, #tpu.memory_space<hbm>>) target(%dma_start3A_81 : memref<80x16xf32, #tpu.memory_space<vmem>>) offsets(%dma_start3A_84 : memref<80xi32, #tpu.memory_space<vmem>>) semaphore(%dma_start3A_89 : memref<!tpu.dma_semaphore, #tpu.memory_space<semaphore_mem>>)
          %scan3A_90 = arith.constant 0 : i32
          %scan3A_91 = arith.constant 40 : i32
          %scan3A_92 = arith.addi %scan3A_90, %scan3A_91 : i32
          %scan3A_93 = arith.constant 1 : i32
          scf.for %scan3A_214 = %scan3A_90 to %scan3A_92 step %scan3A_93  : i32 {
            %jit3A = arith.constant 8 : i32
            %eq3A_215 = arith.constant 0 : i32
            %eq3A_216 = arith.cmpi eq, %jit3A, %eq3A_215 : i32
            %jit3A_217 = arith.constant 1 : i32
            %select_n3A = arith.select %eq3A_216, %jit3A_217, %jit3A : i32
            %rem3A = arith.remsi %scan3A_214, %select_n3A : i32
            %ne3A = arith.constant 0 : i32
            %ne3A_218 = arith.cmpi ne, %rem3A, %ne3A : i32
            %lt3A_219 = arith.constant 0 : i32
            %lt3A_220 = arith.cmpi slt, %rem3A, %lt3A_219 : i32
            %lt3A_221 = arith.constant 0 : i32
            %lt3A_222 = arith.cmpi slt, %select_n3A, %lt3A_221 : i32
            %ne3A_223 = arith.xori %lt3A_220, %lt3A_222 : i1
            %and3A = arith.andi %ne3A_223, %ne3A_218 : i1
            %add3A_224 = arith.addi %rem3A, %select_n3A : i32
            %select_n3A_225 = arith.select %and3A, %add3A_224, %rem3A : i32
            %dma_wait3A_226 = arith.constant 0 : i32
            %dma_wait3A_227 = arith.constant 0 : i32
            %dma_wait3A_228 = tpu.memref_slice %arg11[%select_n3A_225, %dma_wait3A_226, %dma_wait3A_227] : memref<8x80x16xf32, #tpu.memory_space<vmem>> -> memref<1x80x16xf32, #tpu.memory_space<vmem>>
            %dma_wait3A_229 = tpu.memref_squeeze %dma_wait3A_228 : memref<1x80x16xf32, #tpu.memory_space<vmem>> -> memref<80x16xf32, #tpu.memory_space<vmem>>
            %dma_wait3A_230 = arith.constant 0 : i32
            %dma_wait3A_231 = tpu.memref_slice %arg9[%scan3A_214, %dma_wait3A_230] : memref<40x80xi32, #tpu.memory_space<vmem>> -> memref<1x80xi32, #tpu.memory_space<vmem>>
            %dma_wait3A_232 = tpu.memref_squeeze %dma_wait3A_231 : memref<1x80xi32, #tpu.memory_space<vmem>> -> memref<80xi32, #tpu.memory_space<vmem>>
            %dma_wait3A_233 = arith.constant 0 : i32
            %dma_wait3A_234 = arith.constant 0 : i32
            %dma_wait3A_235 = tpu.memref_slice %arg3[%dma_wait3A_233, %dma_wait3A_234] : memref<100352x16xf32, #tpu.memory_space<hbm>> -> memref<100352x16xf32, #tpu.memory_space<hbm>>
            %dma_wait3A_236 = tpu.memref_slice %arg14[%select_n3A_225] : memref<8x!tpu.dma_semaphore, #tpu.memory_space<semaphore_mem>> -> memref<1x!tpu.dma_semaphore, #tpu.memory_space<semaphore_mem>>
            %dma_wait3A_237 = tpu.memref_squeeze %dma_wait3A_236 : memref<1x!tpu.dma_semaphore, #tpu.memory_space<semaphore_mem>> -> memref<!tpu.dma_semaphore, #tpu.memory_space<semaphore_mem>>
            tpu.wait_indirect_dma semaphore(%dma_wait3A_237 : memref<!tpu.dma_semaphore, #tpu.memory_space<semaphore_mem>>) src(%dma_wait3A_235 : memref<100352x16xf32, #tpu.memory_space<hbm>>) dst(%dma_wait3A_229 : memref<80x16xf32, #tpu.memory_space<vmem>>)
            %dma_start3A_238 = arith.constant 0 : i32
            %dma_start3A_239 = arith.constant 0 : i32
            %dma_start3A_240 = tpu.memref_slice %arg11[%select_n3A_225, %dma_start3A_238, %dma_start3A_239] : memref<8x80x16xf32, #tpu.memory_space<vmem>> -> memref<1x80x16xf32, #tpu.memory_space<vmem>>
            %dma_start3A_241 = tpu.memref_squeeze %dma_start3A_240 : memref<1x80x16xf32, #tpu.memory_space<vmem>> -> memref<80x16xf32, #tpu.memory_space<vmem>>
            %dma_start3A_242 = arith.constant 0 : i32
            %dma_start3A_243 = tpu.memref_slice %arg10[%scan3A_214, %dma_start3A_242] : memref<40x80xi32, #tpu.memory_space<vmem>> -> memref<1x80xi32, #tpu.memory_space<vmem>>
            %dma_start3A_244 = tpu.memref_squeeze %dma_start3A_243 : memref<1x80xi32, #tpu.memory_space<vmem>> -> memref<80xi32, #tpu.memory_space<vmem>>
            %dma_start3A_245 = arith.constant 0 : i32
            %dma_start3A_246 = arith.constant 0 : i32
            %dma_start3A_247 = tpu.memref_slice %arg13[%dma_start3A_245, %dma_start3A_246] : memref<100352x16xf32, #tpu.memory_space<vmem_shared>> -> memref<100352x16xf32, #tpu.memory_space<vmem_shared>>
            %dma_start3A_248 = tpu.memref_slice %arg15[%select_n3A_225] : memref<8x!tpu.dma_semaphore, #tpu.memory_space<semaphore_mem>> -> memref<1x!tpu.dma_semaphore, #tpu.memory_space<semaphore_mem>>
            %dma_start3A_249 = tpu.memref_squeeze %dma_start3A_248 : memref<1x!tpu.dma_semaphore, #tpu.memory_space<semaphore_mem>> -> memref<!tpu.dma_semaphore, #tpu.memory_space<semaphore_mem>>
            tpu.enqueue_indirect_dma source(%dma_start3A_241 : memref<80x16xf32, #tpu.memory_space<vmem>>) target(%dma_start3A_247 : memref<100352x16xf32, #tpu.memory_space<vmem_shared>>) offsets(%dma_start3A_244 : memref<80xi32, #tpu.memory_space<vmem>>) semaphore(%dma_start3A_249 : memref<!tpu.dma_semaphore, #tpu.memory_space<semaphore_mem>>) {add = true}
            %add3A_250 = arith.constant 4 : i32
            %add3A_251 = arith.addi %scan3A_214, %add3A_250 : i32
            %lt3A_252 = arith.constant 40 : i32
            %lt3A_253 = arith.cmpi slt, %add3A_251, %lt3A_252 : i32
            %convert_element_type3A_254 = arith.extui %lt3A_253 : i1 to i32
            %cond3A_255 = arith.constant 0 : i32
            %cond3A_256 = arith.cmpi ne, %convert_element_type3A_254, %cond3A_255 : i32
            scf.if %cond3A_256 {
              %add3A_257 = arith.constant 4 : i32
              %add3A_258 = arith.addi %scan3A_214, %add3A_257 : i32
              %jit3A_259 = arith.constant 8 : i32
              %eq3A_260 = arith.constant 0 : i32
              %eq3A_261 = arith.cmpi eq, %jit3A_259, %eq3A_260 : i32
              %jit3A_262 = arith.constant 1 : i32
              %select_n3A_263 = arith.select %eq3A_261, %jit3A_262, %jit3A_259 : i32
              %rem3A_264 = arith.remsi %add3A_258, %select_n3A_263 : i32
              %ne3A_265 = arith.constant 0 : i32
              %ne3A_266 = arith.cmpi ne, %rem3A_264, %ne3A_265 : i32
              %lt3A_267 = arith.constant 0 : i32
              %lt3A_268 = arith.cmpi slt, %rem3A_264, %lt3A_267 : i32
              %lt3A_269 = arith.constant 0 : i32
              %lt3A_270 = arith.cmpi slt, %select_n3A_263, %lt3A_269 : i32
              %ne3A_271 = arith.xori %lt3A_268, %lt3A_270 : i1
              %and3A_272 = arith.andi %ne3A_271, %ne3A_266 : i1
              %add3A_273 = arith.addi %rem3A_264, %select_n3A_263 : i32
              %select_n3A_274 = arith.select %and3A_272, %add3A_273, %rem3A_264 : i32
              %ge3A = arith.constant 4 : i32
              %ge3A_275 = arith.cmpi sge, %scan3A_214, %ge3A : i32
              %convert_element_type3A_276 = arith.extui %ge3A_275 : i1 to i32
              %cond3A_277 = arith.constant 0 : i32
              %cond3A_278 = arith.cmpi ne, %convert_element_type3A_276, %cond3A_277 : i32
              scf.if %cond3A_278 {
                %sub3A = arith.constant 4 : i32
                %sub3A_293 = arith.subi %scan3A_214, %sub3A : i32
                %dma_wait3A_294 = arith.constant 0 : i32
                %dma_wait3A_295 = arith.constant 0 : i32
                %dma_wait3A_296 = tpu.memref_slice %arg11[%select_n3A_274, %dma_wait3A_294, %dma_wait3A_295] : memref<8x80x16xf32, #tpu.memory_space<vmem>> -> memref<1x80x16xf32, #tpu.memory_space<vmem>>
                %dma_wait3A_297 = tpu.memref_squeeze %dma_wait3A_296 : memref<1x80x16xf32, #tpu.memory_space<vmem>> -> memref<80x16xf32, #tpu.memory_space<vmem>>
                %dma_wait3A_298 = arith.constant 0 : i32
                %dma_wait3A_299 = tpu.memref_slice %arg10[%sub3A_293, %dma_wait3A_298] : memref<40x80xi32, #tpu.memory_space<vmem>> -> memref<1x80xi32, #tpu.memory_space<vmem>>
                %dma_wait3A_300 = tpu.memref_squeeze %dma_wait3A_299 : memref<1x80xi32, #tpu.memory_space<vmem>> -> memref<80xi32, #tpu.memory_space<vmem>>
                %dma_wait3A_301 = arith.constant 0 : i32
                %dma_wait3A_302 = arith.constant 0 : i32
                %dma_wait3A_303 = tpu.memref_slice %arg13[%dma_wait3A_301, %dma_wait3A_302] : memref<100352x16xf32, #tpu.memory_space<vmem_shared>> -> memref<100352x16xf32, #tpu.memory_space<vmem_shared>>
                %dma_wait3A_304 = tpu.memref_slice %arg15[%select_n3A_274] : memref<8x!tpu.dma_semaphore, #tpu.memory_space<semaphore_mem>> -> memref<1x!tpu.dma_semaphore, #tpu.memory_space<semaphore_mem>>
                %dma_wait3A_305 = tpu.memref_squeeze %dma_wait3A_304 : memref<1x!tpu.dma_semaphore, #tpu.memory_space<semaphore_mem>> -> memref<!tpu.dma_semaphore, #tpu.memory_space<semaphore_mem>>
                tpu.wait_indirect_dma semaphore(%dma_wait3A_305 : memref<!tpu.dma_semaphore, #tpu.memory_space<semaphore_mem>>) src(%dma_wait3A_297 : memref<80x16xf32, #tpu.memory_space<vmem>>) dst(%dma_wait3A_303 : memref<100352x16xf32, #tpu.memory_space<vmem_shared>>)
              } else {
              }
              %add3A_279 = arith.constant 4 : i32
              %add3A_280 = arith.addi %scan3A_214, %add3A_279 : i32
              %dma_start3A_281 = arith.constant 0 : i32
              %dma_start3A_282 = arith.constant 0 : i32
              %dma_start3A_283 = tpu.memref_slice %arg11[%select_n3A_274, %dma_start3A_281, %dma_start3A_282] : memref<8x80x16xf32, #tpu.memory_space<vmem>> -> memref<1x80x16xf32, #tpu.memory_space<vmem>>
              %dma_start3A_284 = tpu.memref_squeeze %dma_start3A_283 : memref<1x80x16xf32, #tpu.memory_space<vmem>> -> memref<80x16xf32, #tpu.memory_space<vmem>>
              %dma_start3A_285 = arith.constant 0 : i32
              %dma_start3A_286 = tpu.memref_slice %arg9[%add3A_280, %dma_start3A_285] : memref<40x80xi32, #tpu.memory_space<vmem>> -> memref<1x80xi32, #tpu.memory_space<vmem>>
              %dma_start3A_287 = tpu.memref_squeeze %dma_start3A_286 : memref<1x80xi32, #tpu.memory_space<vmem>> -> memref<80xi32, #tpu.memory_space<vmem>>
              %dma_start3A_288 = arith.constant 0 : i32
              %dma_start3A_289 = arith.constant 0 : i32
              %dma_start3A_290 = tpu.memref_slice %arg3[%dma_start3A_288, %dma_start3A_289] : memref<100352x16xf32, #tpu.memory_space<hbm>> -> memref<100352x16xf32, #tpu.memory_space<hbm>>
              %dma_start3A_291 = tpu.memref_slice %arg14[%select_n3A_274] : memref<8x!tpu.dma_semaphore, #tpu.memory_space<semaphore_mem>> -> memref<1x!tpu.dma_semaphore, #tpu.memory_space<semaphore_mem>>
              %dma_start3A_292 = tpu.memref_squeeze %dma_start3A_291 : memref<1x!tpu.dma_semaphore, #tpu.memory_space<semaphore_mem>> -> memref<!tpu.dma_semaphore, #tpu.memory_space<semaphore_mem>>
              tpu.enqueue_indirect_dma source(%dma_start3A_290 : memref<100352x16xf32, #tpu.memory_space<hbm>>) target(%dma_start3A_284 : memref<80x16xf32, #tpu.memory_space<vmem>>) offsets(%dma_start3A_287 : memref<80xi32, #tpu.memory_space<vmem>>) semaphore(%dma_start3A_292 : memref<!tpu.dma_semaphore, #tpu.memory_space<semaphore_mem>>)
            } else {
            }
          }
          %scan3A_94 = arith.constant 40 : i32
          %dma_wait3A = arith.constant 0 : i32
          %dma_wait3A_95 = arith.constant 32 : i32
          %dma_wait3A_96 = arith.constant 0 : i32
          %dma_wait3A_97 = arith.constant 0 : i32
          %dma_wait3A_98 = arith.constant 0 : i32
          %dma_wait3A_99 = tpu.memref_slice %arg11[%dma_wait3A, %dma_wait3A_97, %dma_wait3A_98] : memref<8x80x16xf32, #tpu.memory_space<vmem>> -> memref<1x80x16xf32, #tpu.memory_space<vmem>>
          %dma_wait3A_100 = tpu.memref_squeeze %dma_wait3A_99 : memref<1x80x16xf32, #tpu.memory_space<vmem>> -> memref<80x16xf32, #tpu.memory_space<vmem>>
          %dma_wait3A_101 = arith.constant 0 : i32
          %dma_wait3A_102 = tpu.memref_slice %arg10[%dma_wait3A_95, %dma_wait3A_101] : memref<40x80xi32, #tpu.memory_space<vmem>> -> memref<1x80xi32, #tpu.memory_space<vmem>>
          %dma_wait3A_103 = tpu.memref_squeeze %dma_wait3A_102 : memref<1x80xi32, #tpu.memory_space<vmem>> -> memref<80xi32, #tpu.memory_space<vmem>>
          %dma_wait3A_104 = arith.constant 0 : i32
          %dma_wait3A_105 = arith.constant 0 : i32
          %dma_wait3A_106 = tpu.memref_slice %arg13[%dma_wait3A_104, %dma_wait3A_105] : memref<100352x16xf32, #tpu.memory_space<vmem_shared>> -> memref<100352x16xf32, #tpu.memory_space<vmem_shared>>
          %dma_wait3A_107 = tpu.memref_slice %arg15[%dma_wait3A_96] : memref<8x!tpu.dma_semaphore, #tpu.memory_space<semaphore_mem>> -> memref<1x!tpu.dma_semaphore, #tpu.memory_space<semaphore_mem>>
          %dma_wait3A_108 = tpu.memref_squeeze %dma_wait3A_107 : memref<1x!tpu.dma_semaphore, #tpu.memory_space<semaphore_mem>> -> memref<!tpu.dma_semaphore, #tpu.memory_space<semaphore_mem>>
          tpu.wait_indirect_dma semaphore(%dma_wait3A_108 : memref<!tpu.dma_semaphore, #tpu.memory_space<semaphore_mem>>) src(%dma_wait3A_100 : memref<80x16xf32, #tpu.memory_space<vmem>>) dst(%dma_wait3A_106 : memref<100352x16xf32, #tpu.memory_space<vmem_shared>>)
          %dma_wait3A_109 = arith.constant 1 : i32
          %dma_wait3A_110 = arith.constant 33 : i32
          %dma_wait3A_111 = arith.constant 1 : i32
          %dma_wait3A_112 = arith.constant 0 : i32
          %dma_wait3A_113 = arith.constant 0 : i32
          %dma_wait3A_114 = tpu.memref_slice %arg11[%dma_wait3A_109, %dma_wait3A_112, %dma_wait3A_113] : memref<8x80x16xf32, #tpu.memory_space<vmem>> -> memref<1x80x16xf32, #tpu.memory_space<vmem>>
          %dma_wait3A_115 = tpu.memref_squeeze %dma_wait3A_114 : memref<1x80x16xf32, #tpu.memory_space<vmem>> -> memref<80x16xf32, #tpu.memory_space<vmem>>
          %dma_wait3A_116 = arith.constant 0 : i32
          %dma_wait3A_117 = tpu.memref_slice %arg10[%dma_wait3A_110, %dma_wait3A_116] : memref<40x80xi32, #tpu.memory_space<vmem>> -> memref<1x80xi32, #tpu.memory_space<vmem>>
          %dma_wait3A_118 = tpu.memref_squeeze %dma_wait3A_117 : memref<1x80xi32, #tpu.memory_space<vmem>> -> memref<80xi32, #tpu.memory_space<vmem>>
          %dma_wait3A_119 = arith.constant 0 : i32
          %dma_wait3A_120 = arith.constant 0 : i32
          %dma_wait3A_121 = tpu.memref_slice %arg13[%dma_wait3A_119, %dma_wait3A_120] : memref<100352x16xf32, #tpu.memory_space<vmem_shared>> -> memref<100352x16xf32, #tpu.memory_space<vmem_shared>>
          %dma_wait3A_122 = tpu.memref_slice %arg15[%dma_wait3A_111] : memref<8x!tpu.dma_semaphore, #tpu.memory_space<semaphore_mem>> -> memref<1x!tpu.dma_semaphore, #tpu.memory_space<semaphore_mem>>
          %dma_wait3A_123 = tpu.memref_squeeze %dma_wait3A_122 : memref<1x!tpu.dma_semaphore, #tpu.memory_space<semaphore_mem>> -> memref<!tpu.dma_semaphore, #tpu.memory_space<semaphore_mem>>
          tpu.wait_indirect_dma semaphore(%dma_wait3A_123 : memref<!tpu.dma_semaphore, #tpu.memory_space<semaphore_mem>>) src(%dma_wait3A_115 : memref<80x16xf32, #tpu.memory_space<vmem>>) dst(%dma_wait3A_121 : memref<100352x16xf32, #tpu.memory_space<vmem_shared>>)
          %dma_wait3A_124 = arith.constant 2 : i32
          %dma_wait3A_125 = arith.constant 34 : i32
          %dma_wait3A_126 = arith.constant 2 : i32
          %dma_wait3A_127 = arith.constant 0 : i32
          %dma_wait3A_128 = arith.constant 0 : i32
          %dma_wait3A_129 = tpu.memref_slice %arg11[%dma_wait3A_124, %dma_wait3A_127, %dma_wait3A_128] : memref<8x80x16xf32, #tpu.memory_space<vmem>> -> memref<1x80x16xf32, #tpu.memory_space<vmem>>
          %dma_wait3A_130 = tpu.memref_squeeze %dma_wait3A_129 : memref<1x80x16xf32, #tpu.memory_space<vmem>> -> memref<80x16xf32, #tpu.memory_space<vmem>>
          %dma_wait3A_131 = arith.constant 0 : i32
          %dma_wait3A_132 = tpu.memref_slice %arg10[%dma_wait3A_125, %dma_wait3A_131] : memref<40x80xi32, #tpu.memory_space<vmem>> -> memref<1x80xi32, #tpu.memory_space<vmem>>
          %dma_wait3A_133 = tpu.memref_squeeze %dma_wait3A_132 : memref<1x80xi32, #tpu.memory_space<vmem>> -> memref<80xi32, #tpu.memory_space<vmem>>
          %dma_wait3A_134 = arith.constant 0 : i32
          %dma_wait3A_135 = arith.constant 0 : i32
          %dma_wait3A_136 = tpu.memref_slice %arg13[%dma_wait3A_134, %dma_wait3A_135] : memref<100352x16xf32, #tpu.memory_space<vmem_shared>> -> memref<100352x16xf32, #tpu.memory_space<vmem_shared>>
          %dma_wait3A_137 = tpu.memref_slice %arg15[%dma_wait3A_126] : memref<8x!tpu.dma_semaphore, #tpu.memory_space<semaphore_mem>> -> memref<1x!tpu.dma_semaphore, #tpu.memory_space<semaphore_mem>>
          %dma_wait3A_138 = tpu.memref_squeeze %dma_wait3A_137 : memref<1x!tpu.dma_semaphore, #tpu.memory_space<semaphore_mem>> -> memref<!tpu.dma_semaphore, #tpu.memory_space<semaphore_mem>>
          tpu.wait_indirect_dma semaphore(%dma_wait3A_138 : memref<!tpu.dma_semaphore, #tpu.memory_space<semaphore_mem>>) src(%dma_wait3A_130 : memref<80x16xf32, #tpu.memory_space<vmem>>) dst(%dma_wait3A_136 : memref<100352x16xf32, #tpu.memory_space<vmem_shared>>)
          %dma_wait3A_139 = arith.constant 3 : i32
          %dma_wait3A_140 = arith.constant 35 : i32
          %dma_wait3A_141 = arith.constant 3 : i32
          %dma_wait3A_142 = arith.constant 0 : i32
          %dma_wait3A_143 = arith.constant 0 : i32
          %dma_wait3A_144 = tpu.memref_slice %arg11[%dma_wait3A_139, %dma_wait3A_142, %dma_wait3A_143] : memref<8x80x16xf32, #tpu.memory_space<vmem>> -> memref<1x80x16xf32, #tpu.memory_space<vmem>>
          %dma_wait3A_145 = tpu.memref_squeeze %dma_wait3A_144 : memref<1x80x16xf32, #tpu.memory_space<vmem>> -> memref<80x16xf32, #tpu.memory_space<vmem>>
          %dma_wait3A_146 = arith.constant 0 : i32
          %dma_wait3A_147 = tpu.memref_slice %arg10[%dma_wait3A_140, %dma_wait3A_146] : memref<40x80xi32, #tpu.memory_space<vmem>> -> memref<1x80xi32, #tpu.memory_space<vmem>>
          %dma_wait3A_148 = tpu.memref_squeeze %dma_wait3A_147 : memref<1x80xi32, #tpu.memory_space<vmem>> -> memref<80xi32, #tpu.memory_space<vmem>>
          %dma_wait3A_149 = arith.constant 0 : i32
          %dma_wait3A_150 = arith.constant 0 : i32
          %dma_wait3A_151 = tpu.memref_slice %arg13[%dma_wait3A_149, %dma_wait3A_150] : memref<100352x16xf32, #tpu.memory_space<vmem_shared>> -> memref<100352x16xf32, #tpu.memory_space<vmem_shared>>
          %dma_wait3A_152 = tpu.memref_slice %arg15[%dma_wait3A_141] : memref<8x!tpu.dma_semaphore, #tpu.memory_space<semaphore_mem>> -> memref<1x!tpu.dma_semaphore, #tpu.memory_space<semaphore_mem>>
          %dma_wait3A_153 = tpu.memref_squeeze %dma_wait3A_152 : memref<1x!tpu.dma_semaphore, #tpu.memory_space<semaphore_mem>> -> memref<!tpu.dma_semaphore, #tpu.memory_space<semaphore_mem>>
          tpu.wait_indirect_dma semaphore(%dma_wait3A_153 : memref<!tpu.dma_semaphore, #tpu.memory_space<semaphore_mem>>) src(%dma_wait3A_145 : memref<80x16xf32, #tpu.memory_space<vmem>>) dst(%dma_wait3A_151 : memref<100352x16xf32, #tpu.memory_space<vmem_shared>>)
          %dma_wait3A_154 = arith.constant 4 : i32
          %dma_wait3A_155 = arith.constant 36 : i32
          %dma_wait3A_156 = arith.constant 4 : i32
          %dma_wait3A_157 = arith.constant 0 : i32
          %dma_wait3A_158 = arith.constant 0 : i32
          %dma_wait3A_159 = tpu.memref_slice %arg11[%dma_wait3A_154, %dma_wait3A_157, %dma_wait3A_158] : memref<8x80x16xf32, #tpu.memory_space<vmem>> -> memref<1x80x16xf32, #tpu.memory_space<vmem>>
          %dma_wait3A_160 = tpu.memref_squeeze %dma_wait3A_159 : memref<1x80x16xf32, #tpu.memory_space<vmem>> -> memref<80x16xf32, #tpu.memory_space<vmem>>
          %dma_wait3A_161 = arith.constant 0 : i32
          %dma_wait3A_162 = tpu.memref_slice %arg10[%dma_wait3A_155, %dma_wait3A_161] : memref<40x80xi32, #tpu.memory_space<vmem>> -> memref<1x80xi32, #tpu.memory_space<vmem>>
          %dma_wait3A_163 = tpu.memref_squeeze %dma_wait3A_162 : memref<1x80xi32, #tpu.memory_space<vmem>> -> memref<80xi32, #tpu.memory_space<vmem>>
          %dma_wait3A_164 = arith.constant 0 : i32
          %dma_wait3A_165 = arith.constant 0 : i32
          %dma_wait3A_166 = tpu.memref_slice %arg13[%dma_wait3A_164, %dma_wait3A_165] : memref<100352x16xf32, #tpu.memory_space<vmem_shared>> -> memref<100352x16xf32, #tpu.memory_space<vmem_shared>>
          %dma_wait3A_167 = tpu.memref_slice %arg15[%dma_wait3A_156] : memref<8x!tpu.dma_semaphore, #tpu.memory_space<semaphore_mem>> -> memref<1x!tpu.dma_semaphore, #tpu.memory_space<semaphore_mem>>
          %dma_wait3A_168 = tpu.memref_squeeze %dma_wait3A_167 : memref<1x!tpu.dma_semaphore, #tpu.memory_space<semaphore_mem>> -> memref<!tpu.dma_semaphore, #tpu.memory_space<semaphore_mem>>
          tpu.wait_indirect_dma semaphore(%dma_wait3A_168 : memref<!tpu.dma_semaphore, #tpu.memory_space<semaphore_mem>>) src(%dma_wait3A_160 : memref<80x16xf32, #tpu.memory_space<vmem>>) dst(%dma_wait3A_166 : memref<100352x16xf32, #tpu.memory_space<vmem_shared>>)
          %dma_wait3A_169 = arith.constant 5 : i32
          %dma_wait3A_170 = arith.constant 37 : i32
          %dma_wait3A_171 = arith.constant 5 : i32
          %dma_wait3A_172 = arith.constant 0 : i32
          %dma_wait3A_173 = arith.constant 0 : i32
          %dma_wait3A_174 = tpu.memref_slice %arg11[%dma_wait3A_169, %dma_wait3A_172, %dma_wait3A_173] : memref<8x80x16xf32, #tpu.memory_space<vmem>> -> memref<1x80x16xf32, #tpu.memory_space<vmem>>
          %dma_wait3A_175 = tpu.memref_squeeze %dma_wait3A_174 : memref<1x80x16xf32, #tpu.memory_space<vmem>> -> memref<80x16xf32, #tpu.memory_space<vmem>>
          %dma_wait3A_176 = arith.constant 0 : i32
          %dma_wait3A_177 = tpu.memref_slice %arg10[%dma_wait3A_170, %dma_wait3A_176] : memref<40x80xi32, #tpu.memory_space<vmem>> -> memref<1x80xi32, #tpu.memory_space<vmem>>
          %dma_wait3A_178 = tpu.memref_squeeze %dma_wait3A_177 : memref<1x80xi32, #tpu.memory_space<vmem>> -> memref<80xi32, #tpu.memory_space<vmem>>
          %dma_wait3A_179 = arith.constant 0 : i32
          %dma_wait3A_180 = arith.constant 0 : i32
          %dma_wait3A_181 = tpu.memref_slice %arg13[%dma_wait3A_179, %dma_wait3A_180] : memref<100352x16xf32, #tpu.memory_space<vmem_shared>> -> memref<100352x16xf32, #tpu.memory_space<vmem_shared>>
          %dma_wait3A_182 = tpu.memref_slice %arg15[%dma_wait3A_171] : memref<8x!tpu.dma_semaphore, #tpu.memory_space<semaphore_mem>> -> memref<1x!tpu.dma_semaphore, #tpu.memory_space<semaphore_mem>>
          %dma_wait3A_183 = tpu.memref_squeeze %dma_wait3A_182 : memref<1x!tpu.dma_semaphore, #tpu.memory_space<semaphore_mem>> -> memref<!tpu.dma_semaphore, #tpu.memory_space<semaphore_mem>>
          tpu.wait_indirect_dma semaphore(%dma_wait3A_183 : memref<!tpu.dma_semaphore, #tpu.memory_space<semaphore_mem>>) src(%dma_wait3A_175 : memref<80x16xf32, #tpu.memory_space<vmem>>) dst(%dma_wait3A_181 : memref<100352x16xf32, #tpu.memory_space<vmem_shared>>)
          %dma_wait3A_184 = arith.constant 6 : i32
          %dma_wait3A_185 = arith.constant 38 : i32
          %dma_wait3A_186 = arith.constant 6 : i32
          %dma_wait3A_187 = arith.constant 0 : i32
          %dma_wait3A_188 = arith.constant 0 : i32
          %dma_wait3A_189 = tpu.memref_slice %arg11[%dma_wait3A_184, %dma_wait3A_187, %dma_wait3A_188] : memref<8x80x16xf32, #tpu.memory_space<vmem>> -> memref<1x80x16xf32, #tpu.memory_space<vmem>>
          %dma_wait3A_190 = tpu.memref_squeeze %dma_wait3A_189 : memref<1x80x16xf32, #tpu.memory_space<vmem>> -> memref<80x16xf32, #tpu.memory_space<vmem>>
          %dma_wait3A_191 = arith.constant 0 : i32
          %dma_wait3A_192 = tpu.memref_slice %arg10[%dma_wait3A_185, %dma_wait3A_191] : memref<40x80xi32, #tpu.memory_space<vmem>> -> memref<1x80xi32, #tpu.memory_space<vmem>>
          %dma_wait3A_193 = tpu.memref_squeeze %dma_wait3A_192 : memref<1x80xi32, #tpu.memory_space<vmem>> -> memref<80xi32, #tpu.memory_space<vmem>>
          %dma_wait3A_194 = arith.constant 0 : i32
          %dma_wait3A_195 = arith.constant 0 : i32
          %dma_wait3A_196 = tpu.memref_slice %arg13[%dma_wait3A_194, %dma_wait3A_195] : memref<100352x16xf32, #tpu.memory_space<vmem_shared>> -> memref<100352x16xf32, #tpu.memory_space<vmem_shared>>
          %dma_wait3A_197 = tpu.memref_slice %arg15[%dma_wait3A_186] : memref<8x!tpu.dma_semaphore, #tpu.memory_space<semaphore_mem>> -> memref<1x!tpu.dma_semaphore, #tpu.memory_space<semaphore_mem>>
          %dma_wait3A_198 = tpu.memref_squeeze %dma_wait3A_197 : memref<1x!tpu.dma_semaphore, #tpu.memory_space<semaphore_mem>> -> memref<!tpu.dma_semaphore, #tpu.memory_space<semaphore_mem>>
          tpu.wait_indirect_dma semaphore(%dma_wait3A_198 : memref<!tpu.dma_semaphore, #tpu.memory_space<semaphore_mem>>) src(%dma_wait3A_190 : memref<80x16xf32, #tpu.memory_space<vmem>>) dst(%dma_wait3A_196 : memref<100352x16xf32, #tpu.memory_space<vmem_shared>>)
          %dma_wait3A_199 = arith.constant 7 : i32
          %dma_wait3A_200 = arith.constant 39 : i32
          %dma_wait3A_201 = arith.constant 7 : i32
          %dma_wait3A_202 = arith.constant 0 : i32
          %dma_wait3A_203 = arith.constant 0 : i32
          %dma_wait3A_204 = tpu.memref_slice %arg11[%dma_wait3A_199, %dma_wait3A_202, %dma_wait3A_203] : memref<8x80x16xf32, #tpu.memory_space<vmem>> -> memref<1x80x16xf32, #tpu.memory_space<vmem>>
          %dma_wait3A_205 = tpu.memref_squeeze %dma_wait3A_204 : memref<1x80x16xf32, #tpu.memory_space<vmem>> -> memref<80x16xf32, #tpu.memory_space<vmem>>
          %dma_wait3A_206 = arith.constant 0 : i32
          %dma_wait3A_207 = tpu.memref_slice %arg10[%dma_wait3A_200, %dma_wait3A_206] : memref<40x80xi32, #tpu.memory_space<vmem>> -> memref<1x80xi32, #tpu.memory_space<vmem>>
          %dma_wait3A_208 = tpu.memref_squeeze %dma_wait3A_207 : memref<1x80xi32, #tpu.memory_space<vmem>> -> memref<80xi32, #tpu.memory_space<vmem>>
          %dma_wait3A_209 = arith.constant 0 : i32
          %dma_wait3A_210 = arith.constant 0 : i32
          %dma_wait3A_211 = tpu.memref_slice %arg13[%dma_wait3A_209, %dma_wait3A_210] : memref<100352x16xf32, #tpu.memory_space<vmem_shared>> -> memref<100352x16xf32, #tpu.memory_space<vmem_shared>>
          %dma_wait3A_212 = tpu.memref_slice %arg15[%dma_wait3A_201] : memref<8x!tpu.dma_semaphore, #tpu.memory_space<semaphore_mem>> -> memref<1x!tpu.dma_semaphore, #tpu.memory_space<semaphore_mem>>
          %dma_wait3A_213 = tpu.memref_squeeze %dma_wait3A_212 : memref<1x!tpu.dma_semaphore, #tpu.memory_space<semaphore_mem>> -> memref<!tpu.dma_semaphore, #tpu.memory_space<semaphore_mem>>
          tpu.wait_indirect_dma semaphore(%dma_wait3A_213 : memref<!tpu.dma_semaphore, #tpu.memory_space<semaphore_mem>>) src(%dma_wait3A_205 : memref<80x16xf32, #tpu.memory_space<vmem>>) dst(%dma_wait3A_211 : memref<100352x16xf32, #tpu.memory_space<vmem_shared>>)
        } else {
        }
      }
      %scan3A_15 = arith.constant 32 : i32
      %barrier3A_16 = arith.constant 0 : index
      tpu.barrier barrier_id(%barrier3A_16)
      %scan3A_17 = arith.constant 0 : i32
      %scan3A_18 = arith.constant 13 : i32
      %scan3A_19 = arith.addi %scan3A_17, %scan3A_18 : i32
      %scan3A_20 = arith.constant 1 : i32
      scf.for %scan3A_22 = %scan3A_17 to %scan3A_19 step %scan3A_20  : i32 {
        %mul3A = arith.constant 16 : i32
        %mul3A_23 = arith.muli %scan3A_22, %mul3A : i32
        %add3A = arith.addi %arg1, %mul3A_23 : i32
        %lt3A = arith.constant 196 : i32
        %lt3A_24 = arith.cmpi slt, %add3A, %lt3A : i32
        %convert_element_type3A_25 = arith.extui %lt3A_24 : i1 to i32
        %cond3A_26 = arith.constant 0 : i32
        %cond3A_27 = arith.cmpi ne, %convert_element_type3A_25, %cond3A_26 : i32
        scf.if %cond3A_27 {
          %mul3A_28 = arith.constant 512 : i32
          %mul3A_29 = arith.muli %add3A, %mul3A_28 : i32
          %multiple_of3A = tpu.assume_multiple %mul3A_29, 8 : i32
          "tpu.region"() ({
            %run_scoped3A = tpu.sem_alloc : memref<!tpu.dma_semaphore, #tpu.memory_space<semaphore_mem>>
            %dma_start3A = arith.constant 0 : i32
            %dma_start3A_30 = tpu.memref_slice %arg13[%multiple_of3A, %dma_start3A] : memref<100352x16xf32, #tpu.memory_space<vmem_shared>> -> memref<512x16xf32, #tpu.memory_space<vmem_shared>>
            %dma_start3A_31 = arith.constant 0 : i32
            %dma_start3A_32 = tpu.memref_slice %arg13[%multiple_of3A, %dma_start3A_31] : memref<100352x16xf32, #tpu.memory_space<vmem_shared>> -> memref<512x16xf32, #tpu.memory_space<vmem_shared>>
            tpu.enqueue_dma source(%dma_start3A_32 : memref<512x16xf32, #tpu.memory_space<vmem_shared>>) target(%arg12 : memref<512x16xf32, #tpu.memory_space<vmem>>) target_semaphore(%run_scoped3A : memref<!tpu.dma_semaphore, #tpu.memory_space<semaphore_mem>>)
            %dma_wait3A = arith.constant 0 : i32
            %dma_wait3A_33 = tpu.memref_slice %arg13[%multiple_of3A, %dma_wait3A] : memref<100352x16xf32, #tpu.memory_space<vmem_shared>> -> memref<512x16xf32, #tpu.memory_space<vmem_shared>>
            %dma_wait3A_34 = arith.constant 0 : i32
            %dma_wait3A_35 = tpu.memref_slice %arg13[%multiple_of3A, %dma_wait3A_34] : memref<100352x16xf32, #tpu.memory_space<vmem_shared>> -> memref<512x16xf32, #tpu.memory_space<vmem_shared>>
            tpu.wait_dma2 semaphore(%run_scoped3A : memref<!tpu.dma_semaphore, #tpu.memory_space<semaphore_mem>>) src(%dma_wait3A_35 : memref<512x16xf32, #tpu.memory_space<vmem_shared>>) dst(%arg12 : memref<512x16xf32, #tpu.memory_space<vmem>>)
            tpu.yield
          }) : () -> ()
          "tpu.region"() ({
            %run_scoped3A = tpu.sem_alloc : memref<!tpu.dma_semaphore, #tpu.memory_space<semaphore_mem>>
            %dma_start3A = arith.constant 0 : i32
            %dma_start3A_30 = tpu.memref_slice %arg7[%multiple_of3A, %dma_start3A] : memref<100352x16xf32, #tpu.memory_space<hbm>> -> memref<512x16xf32, #tpu.memory_space<hbm>>
            %dma_start3A_31 = arith.constant 0 : i32
            %dma_start3A_32 = tpu.memref_slice %arg7[%multiple_of3A, %dma_start3A_31] : memref<100352x16xf32, #tpu.memory_space<hbm>> -> memref<512x16xf32, #tpu.memory_space<hbm>>
            tpu.enqueue_dma source(%arg12 : memref<512x16xf32, #tpu.memory_space<vmem>>) target(%dma_start3A_32 : memref<512x16xf32, #tpu.memory_space<hbm>>) target_semaphore(%run_scoped3A : memref<!tpu.dma_semaphore, #tpu.memory_space<semaphore_mem>>)
            %dma_wait3A = arith.constant 0 : i32
            %dma_wait3A_33 = tpu.memref_slice %arg7[%multiple_of3A, %dma_wait3A] : memref<100352x16xf32, #tpu.memory_space<hbm>> -> memref<512x16xf32, #tpu.memory_space<hbm>>
            %dma_wait3A_34 = arith.constant 0 : i32
            %dma_wait3A_35 = tpu.memref_slice %arg7[%multiple_of3A, %dma_wait3A_34] : memref<100352x16xf32, #tpu.memory_space<hbm>> -> memref<512x16xf32, #tpu.memory_space<hbm>>
            tpu.wait_dma2 semaphore(%run_scoped3A : memref<!tpu.dma_semaphore, #tpu.memory_space<semaphore_mem>>) src(%arg12 : memref<512x16xf32, #tpu.memory_space<vmem>>) dst(%dma_wait3A_35 : memref<512x16xf32, #tpu.memory_space<hbm>>)
            tpu.yield
          }) : () -> ()
        } else {
        }
      }
      %scan3A_21 = arith.constant 13 : i32
    } else {
    }
    %eq3A_2 = arith.constant 1 : i32
    %eq3A_3 = arith.cmpi eq, %arg0, %eq3A_2 : i32
    %convert_element_type3A_4 = arith.extui %eq3A_3 : i1 to i32
    %cond3A_5 = arith.constant 0 : i32
    %cond3A_6 = arith.cmpi ne, %convert_element_type3A_4, %cond3A_5 : i32
    scf.if %cond3A_6 {
      %scan3A = arith.constant 0 : i32
      %scan3A_7 = arith.constant 13 : i32
      %scan3A_8 = arith.addi %scan3A, %scan3A_7 : i32
      %scan3A_9 = arith.constant 1 : i32
      scf.for %scan3A_22 = %scan3A to %scan3A_8 step %scan3A_9  : i32 {
        %mul3A = arith.constant 16 : i32
        %mul3A_23 = arith.muli %scan3A_22, %mul3A : i32
        %add3A = arith.addi %arg1, %mul3A_23 : i32
        %lt3A = arith.constant 196 : i32
        %lt3A_24 = arith.cmpi slt, %add3A, %lt3A : i32
        %convert_element_type3A_25 = arith.extui %lt3A_24 : i1 to i32
        %cond3A_26 = arith.constant 0 : i32
        %cond3A_27 = arith.cmpi ne, %convert_element_type3A_25, %cond3A_26 : i32
        scf.if %cond3A_27 {
          %mul3A_28 = arith.constant 512 : i32
          %mul3A_29 = arith.muli %add3A, %mul3A_28 : i32
          %multiple_of3A = tpu.assume_multiple %mul3A_29, 8 : i32
          "tpu.region"() ({
            %run_scoped3A = tpu.sem_alloc : memref<!tpu.dma_semaphore, #tpu.memory_space<semaphore_mem>>
            %dma_start3A = arith.constant 0 : i32
            %dma_start3A_30 = tpu.memref_slice %arg6[%multiple_of3A, %dma_start3A] : memref<100352x16xf32, #tpu.memory_space<hbm>> -> memref<512x16xf32, #tpu.memory_space<hbm>>
            %dma_start3A_31 = arith.constant 0 : i32
            %dma_start3A_32 = tpu.memref_slice %arg6[%multiple_of3A, %dma_start3A_31] : memref<100352x16xf32, #tpu.memory_space<hbm>> -> memref<512x16xf32, #tpu.memory_space<hbm>>
            tpu.enqueue_dma source(%dma_start3A_32 : memref<512x16xf32, #tpu.memory_space<hbm>>) target(%arg12 : memref<512x16xf32, #tpu.memory_space<vmem>>) target_semaphore(%run_scoped3A : memref<!tpu.dma_semaphore, #tpu.memory_space<semaphore_mem>>)
            %dma_wait3A = arith.constant 0 : i32
            %dma_wait3A_33 = tpu.memref_slice %arg6[%multiple_of3A, %dma_wait3A] : memref<100352x16xf32, #tpu.memory_space<hbm>> -> memref<512x16xf32, #tpu.memory_space<hbm>>
            %dma_wait3A_34 = arith.constant 0 : i32
            %dma_wait3A_35 = tpu.memref_slice %arg6[%multiple_of3A, %dma_wait3A_34] : memref<100352x16xf32, #tpu.memory_space<hbm>> -> memref<512x16xf32, #tpu.memory_space<hbm>>
            tpu.wait_dma2 semaphore(%run_scoped3A : memref<!tpu.dma_semaphore, #tpu.memory_space<semaphore_mem>>) src(%dma_wait3A_35 : memref<512x16xf32, #tpu.memory_space<hbm>>) dst(%arg12 : memref<512x16xf32, #tpu.memory_space<vmem>>)
            tpu.yield
          }) : () -> ()
          "tpu.region"() ({
            %run_scoped3A = tpu.sem_alloc : memref<!tpu.dma_semaphore, #tpu.memory_space<semaphore_mem>>
            %dma_start3A = arith.constant 0 : i32
            %dma_start3A_30 = tpu.memref_slice %arg13[%multiple_of3A, %dma_start3A] : memref<100352x16xf32, #tpu.memory_space<vmem_shared>> -> memref<512x16xf32, #tpu.memory_space<vmem_shared>>
            %dma_start3A_31 = arith.constant 0 : i32
            %dma_start3A_32 = tpu.memref_slice %arg13[%multiple_of3A, %dma_start3A_31] : memref<100352x16xf32, #tpu.memory_space<vmem_shared>> -> memref<512x16xf32, #tpu.memory_space<vmem_shared>>
            tpu.enqueue_dma source(%arg12 : memref<512x16xf32, #tpu.memory_space<vmem>>) target(%dma_start3A_32 : memref<512x16xf32, #tpu.memory_space<vmem_shared>>) target_semaphore(%run_scoped3A : memref<!tpu.dma_semaphore, #tpu.memory_space<semaphore_mem>>)
            %dma_wait3A = arith.constant 0 : i32
            %dma_wait3A_33 = tpu.memref_slice %arg13[%multiple_of3A, %dma_wait3A] : memref<100352x16xf32, #tpu.memory_space<vmem_shared>> -> memref<512x16xf32, #tpu.memory_space<vmem_shared>>
            %dma_wait3A_34 = arith.constant 0 : i32
            %dma_wait3A_35 = tpu.memref_slice %arg13[%multiple_of3A, %dma_wait3A_34] : memref<100352x16xf32, #tpu.memory_space<vmem_shared>> -> memref<512x16xf32, #tpu.memory_space<vmem_shared>>
            tpu.wait_dma2 semaphore(%run_scoped3A : memref<!tpu.dma_semaphore, #tpu.memory_space<semaphore_mem>>) src(%arg12 : memref<512x16xf32, #tpu.memory_space<vmem>>) dst(%dma_wait3A_35 : memref<512x16xf32, #tpu.memory_space<vmem_shared>>)
            tpu.yield
          }) : () -> ()
        } else {
        }
      }
      %scan3A_10 = arith.constant 13 : i32
      %barrier3A = arith.constant 0 : index
      tpu.barrier barrier_id(%barrier3A)
      %scan3A_11 = arith.constant 0 : i32
      %scan3A_12 = arith.constant 32 : i32
      %scan3A_13 = arith.addi %scan3A_11, %scan3A_12 : i32
      %scan3A_14 = arith.constant 1 : i32
      scf.for %scan3A_22 = %scan3A_11 to %scan3A_13 step %scan3A_14  : i32 {
        %mul3A = arith.constant 16 : i32
        %mul3A_23 = arith.muli %scan3A_22, %mul3A : i32
        %add3A = arith.addi %arg1, %mul3A_23 : i32
        %lt3A = arith.constant 500 : i32
        %lt3A_24 = arith.cmpi slt, %add3A, %lt3A : i32
        %convert_element_type3A_25 = arith.extui %lt3A_24 : i1 to i32
        %cond3A_26 = arith.constant 0 : i32
        %cond3A_27 = arith.cmpi ne, %convert_element_type3A_25, %cond3A_26 : i32
        scf.if %cond3A_27 {
          %mul3A_28 = arith.constant 40 : i32
          %mul3A_29 = arith.muli %add3A, %mul3A_28 : i32
          %multiple_of3A = tpu.assume_multiple %mul3A_29, 8 : i32
          %run_scoped3A = arith.constant 0 : i32
          "tpu.region"() ({
            %run_scoped3A_214 = tpu.sem_alloc : memref<!tpu.dma_semaphore, #tpu.memory_space<semaphore_mem>>
            %dma_start3A_215 = arith.constant 0 : i32
            %dma_start3A_216 = tpu.memref_slice %arg2[%run_scoped3A, %multiple_of3A, %dma_start3A_215] : memref<2x20000x80xi32, #tpu.memory_space<hbm>> -> memref<1x40x80xi32, #tpu.memory_space<hbm>>
            %dma_start3A_217 = tpu.memref_squeeze %dma_start3A_216 : memref<1x40x80xi32, #tpu.memory_space<hbm>> -> memref<40x80xi32, #tpu.memory_space<hbm>>
            %dma_start3A_218 = arith.constant 0 : i32
            %dma_start3A_219 = tpu.memref_slice %arg2[%run_scoped3A, %multiple_of3A, %dma_start3A_218] : memref<2x20000x80xi32, #tpu.memory_space<hbm>> -> memref<1x40x80xi32, #tpu.memory_space<hbm>>
            %dma_start3A_220 = tpu.memref_squeeze %dma_start3A_219 : memref<1x40x80xi32, #tpu.memory_space<hbm>> -> memref<40x80xi32, #tpu.memory_space<hbm>>
            tpu.enqueue_dma source(%dma_start3A_220 : memref<40x80xi32, #tpu.memory_space<hbm>>) target(%arg9 : memref<40x80xi32, #tpu.memory_space<vmem>>) target_semaphore(%run_scoped3A_214 : memref<!tpu.dma_semaphore, #tpu.memory_space<semaphore_mem>>)
            %dma_wait3A_221 = arith.constant 0 : i32
            %dma_wait3A_222 = tpu.memref_slice %arg2[%run_scoped3A, %multiple_of3A, %dma_wait3A_221] : memref<2x20000x80xi32, #tpu.memory_space<hbm>> -> memref<1x40x80xi32, #tpu.memory_space<hbm>>
            %dma_wait3A_223 = tpu.memref_squeeze %dma_wait3A_222 : memref<1x40x80xi32, #tpu.memory_space<hbm>> -> memref<40x80xi32, #tpu.memory_space<hbm>>
            %dma_wait3A_224 = arith.constant 0 : i32
            %dma_wait3A_225 = tpu.memref_slice %arg2[%run_scoped3A, %multiple_of3A, %dma_wait3A_224] : memref<2x20000x80xi32, #tpu.memory_space<hbm>> -> memref<1x40x80xi32, #tpu.memory_space<hbm>>
            %dma_wait3A_226 = tpu.memref_squeeze %dma_wait3A_225 : memref<1x40x80xi32, #tpu.memory_space<hbm>> -> memref<40x80xi32, #tpu.memory_space<hbm>>
            tpu.wait_dma2 semaphore(%run_scoped3A_214 : memref<!tpu.dma_semaphore, #tpu.memory_space<semaphore_mem>>) src(%dma_wait3A_226 : memref<40x80xi32, #tpu.memory_space<hbm>>) dst(%arg9 : memref<40x80xi32, #tpu.memory_space<vmem>>)
            tpu.yield
          }) : () -> ()
          %run_scoped3A_30 = arith.constant 1 : i32
          "tpu.region"() ({
            %run_scoped3A_214 = tpu.sem_alloc : memref<!tpu.dma_semaphore, #tpu.memory_space<semaphore_mem>>
            %dma_start3A_215 = arith.constant 0 : i32
            %dma_start3A_216 = tpu.memref_slice %arg2[%run_scoped3A_30, %multiple_of3A, %dma_start3A_215] : memref<2x20000x80xi32, #tpu.memory_space<hbm>> -> memref<1x40x80xi32, #tpu.memory_space<hbm>>
            %dma_start3A_217 = tpu.memref_squeeze %dma_start3A_216 : memref<1x40x80xi32, #tpu.memory_space<hbm>> -> memref<40x80xi32, #tpu.memory_space<hbm>>
            %dma_start3A_218 = arith.constant 0 : i32
            %dma_start3A_219 = tpu.memref_slice %arg2[%run_scoped3A_30, %multiple_of3A, %dma_start3A_218] : memref<2x20000x80xi32, #tpu.memory_space<hbm>> -> memref<1x40x80xi32, #tpu.memory_space<hbm>>
            %dma_start3A_220 = tpu.memref_squeeze %dma_start3A_219 : memref<1x40x80xi32, #tpu.memory_space<hbm>> -> memref<40x80xi32, #tpu.memory_space<hbm>>
            tpu.enqueue_dma source(%dma_start3A_220 : memref<40x80xi32, #tpu.memory_space<hbm>>) target(%arg10 : memref<40x80xi32, #tpu.memory_space<vmem>>) target_semaphore(%run_scoped3A_214 : memref<!tpu.dma_semaphore, #tpu.memory_space<semaphore_mem>>)
            %dma_wait3A_221 = arith.constant 0 : i32
            %dma_wait3A_222 = tpu.memref_slice %arg2[%run_scoped3A_30, %multiple_of3A, %dma_wait3A_221] : memref<2x20000x80xi32, #tpu.memory_space<hbm>> -> memref<1x40x80xi32, #tpu.memory_space<hbm>>
            %dma_wait3A_223 = tpu.memref_squeeze %dma_wait3A_222 : memref<1x40x80xi32, #tpu.memory_space<hbm>> -> memref<40x80xi32, #tpu.memory_space<hbm>>
            %dma_wait3A_224 = arith.constant 0 : i32
            %dma_wait3A_225 = tpu.memref_slice %arg2[%run_scoped3A_30, %multiple_of3A, %dma_wait3A_224] : memref<2x20000x80xi32, #tpu.memory_space<hbm>> -> memref<1x40x80xi32, #tpu.memory_space<hbm>>
            %dma_wait3A_226 = tpu.memref_squeeze %dma_wait3A_225 : memref<1x40x80xi32, #tpu.memory_space<hbm>> -> memref<40x80xi32, #tpu.memory_space<hbm>>
            tpu.wait_dma2 semaphore(%run_scoped3A_214 : memref<!tpu.dma_semaphore, #tpu.memory_space<semaphore_mem>>) src(%dma_wait3A_226 : memref<40x80xi32, #tpu.memory_space<hbm>>) dst(%arg10 : memref<40x80xi32, #tpu.memory_space<vmem>>)
            tpu.yield
          }) : () -> ()
          %dma_start3A = arith.constant 0 : i32
          %dma_start3A_31 = arith.constant 0 : i32
          %dma_start3A_32 = arith.constant 0 : i32
          %dma_start3A_33 = arith.constant 0 : i32
          %dma_start3A_34 = arith.constant 0 : i32
          %dma_start3A_35 = tpu.memref_slice %arg11[%dma_start3A_31, %dma_start3A_33, %dma_start3A_34] : memref<8x80x16xf32, #tpu.memory_space<vmem>> -> memref<1x80x16xf32, #tpu.memory_space<vmem>>
          %dma_start3A_36 = tpu.memref_squeeze %dma_start3A_35 : memref<1x80x16xf32, #tpu.memory_space<vmem>> -> memref<80x16xf32, #tpu.memory_space<vmem>>
          %dma_start3A_37 = arith.constant 0 : i32
          %dma_start3A_38 = tpu.memref_slice %arg9[%dma_start3A, %dma_start3A_37] : memref<40x80xi32, #tpu.memory_space<vmem>> -> memref<1x80xi32, #tpu.memory_space<vmem>>
          %dma_start3A_39 = tpu.memref_squeeze %dma_start3A_38 : memref<1x80xi32, #tpu.memory_space<vmem>> -> memref<80xi32, #tpu.memory_space<vmem>>
          %dma_start3A_40 = arith.constant 0 : i32
          %dma_start3A_41 = arith.constant 0 : i32
          %dma_start3A_42 = tpu.memref_slice %arg4[%dma_start3A_40, %dma_start3A_41] : memref<100352x16xf32, #tpu.memory_space<hbm>> -> memref<100352x16xf32, #tpu.memory_space<hbm>>
          %dma_start3A_43 = tpu.memref_slice %arg14[%dma_start3A_32] : memref<8x!tpu.dma_semaphore, #tpu.memory_space<semaphore_mem>> -> memref<1x!tpu.dma_semaphore, #tpu.memory_space<semaphore_mem>>
          %dma_start3A_44 = tpu.memref_squeeze %dma_start3A_43 : memref<1x!tpu.dma_semaphore, #tpu.memory_space<semaphore_mem>> -> memref<!tpu.dma_semaphore, #tpu.memory_space<semaphore_mem>>
          tpu.enqueue_indirect_dma source(%dma_start3A_42 : memref<100352x16xf32, #tpu.memory_space<hbm>>) target(%dma_start3A_36 : memref<80x16xf32, #tpu.memory_space<vmem>>) offsets(%dma_start3A_39 : memref<80xi32, #tpu.memory_space<vmem>>) semaphore(%dma_start3A_44 : memref<!tpu.dma_semaphore, #tpu.memory_space<semaphore_mem>>)
          %dma_start3A_45 = arith.constant 1 : i32
          %dma_start3A_46 = arith.constant 1 : i32
          %dma_start3A_47 = arith.constant 1 : i32
          %dma_start3A_48 = arith.constant 0 : i32
          %dma_start3A_49 = arith.constant 0 : i32
          %dma_start3A_50 = tpu.memref_slice %arg11[%dma_start3A_46, %dma_start3A_48, %dma_start3A_49] : memref<8x80x16xf32, #tpu.memory_space<vmem>> -> memref<1x80x16xf32, #tpu.memory_space<vmem>>
          %dma_start3A_51 = tpu.memref_squeeze %dma_start3A_50 : memref<1x80x16xf32, #tpu.memory_space<vmem>> -> memref<80x16xf32, #tpu.memory_space<vmem>>
          %dma_start3A_52 = arith.constant 0 : i32
          %dma_start3A_53 = tpu.memref_slice %arg9[%dma_start3A_45, %dma_start3A_52] : memref<40x80xi32, #tpu.memory_space<vmem>> -> memref<1x80xi32, #tpu.memory_space<vmem>>
          %dma_start3A_54 = tpu.memref_squeeze %dma_start3A_53 : memref<1x80xi32, #tpu.memory_space<vmem>> -> memref<80xi32, #tpu.memory_space<vmem>>
          %dma_start3A_55 = arith.constant 0 : i32
          %dma_start3A_56 = arith.constant 0 : i32
          %dma_start3A_57 = tpu.memref_slice %arg4[%dma_start3A_55, %dma_start3A_56] : memref<100352x16xf32, #tpu.memory_space<hbm>> -> memref<100352x16xf32, #tpu.memory_space<hbm>>
          %dma_start3A_58 = tpu.memref_slice %arg14[%dma_start3A_47] : memref<8x!tpu.dma_semaphore, #tpu.memory_space<semaphore_mem>> -> memref<1x!tpu.dma_semaphore, #tpu.memory_space<semaphore_mem>>
          %dma_start3A_59 = tpu.memref_squeeze %dma_start3A_58 : memref<1x!tpu.dma_semaphore, #tpu.memory_space<semaphore_mem>> -> memref<!tpu.dma_semaphore, #tpu.memory_space<semaphore_mem>>
          tpu.enqueue_indirect_dma source(%dma_start3A_57 : memref<100352x16xf32, #tpu.memory_space<hbm>>) target(%dma_start3A_51 : memref<80x16xf32, #tpu.memory_space<vmem>>) offsets(%dma_start3A_54 : memref<80xi32, #tpu.memory_space<vmem>>) semaphore(%dma_start3A_59 : memref<!tpu.dma_semaphore, #tpu.memory_space<semaphore_mem>>)
          %dma_start3A_60 = arith.constant 2 : i32
          %dma_start3A_61 = arith.constant 2 : i32
          %dma_start3A_62 = arith.constant 2 : i32
          %dma_start3A_63 = arith.constant 0 : i32
          %dma_start3A_64 = arith.constant 0 : i32
          %dma_start3A_65 = tpu.memref_slice %arg11[%dma_start3A_61, %dma_start3A_63, %dma_start3A_64] : memref<8x80x16xf32, #tpu.memory_space<vmem>> -> memref<1x80x16xf32, #tpu.memory_space<vmem>>
          %dma_start3A_66 = tpu.memref_squeeze %dma_start3A_65 : memref<1x80x16xf32, #tpu.memory_space<vmem>> -> memref<80x16xf32, #tpu.memory_space<vmem>>
          %dma_start3A_67 = arith.constant 0 : i32
          %dma_start3A_68 = tpu.memref_slice %arg9[%dma_start3A_60, %dma_start3A_67] : memref<40x80xi32, #tpu.memory_space<vmem>> -> memref<1x80xi32, #tpu.memory_space<vmem>>
          %dma_start3A_69 = tpu.memref_squeeze %dma_start3A_68 : memref<1x80xi32, #tpu.memory_space<vmem>> -> memref<80xi32, #tpu.memory_space<vmem>>
          %dma_start3A_70 = arith.constant 0 : i32
          %dma_start3A_71 = arith.constant 0 : i32
          %dma_start3A_72 = tpu.memref_slice %arg4[%dma_start3A_70, %dma_start3A_71] : memref<100352x16xf32, #tpu.memory_space<hbm>> -> memref<100352x16xf32, #tpu.memory_space<hbm>>
          %dma_start3A_73 = tpu.memref_slice %arg14[%dma_start3A_62] : memref<8x!tpu.dma_semaphore, #tpu.memory_space<semaphore_mem>> -> memref<1x!tpu.dma_semaphore, #tpu.memory_space<semaphore_mem>>
          %dma_start3A_74 = tpu.memref_squeeze %dma_start3A_73 : memref<1x!tpu.dma_semaphore, #tpu.memory_space<semaphore_mem>> -> memref<!tpu.dma_semaphore, #tpu.memory_space<semaphore_mem>>
          tpu.enqueue_indirect_dma source(%dma_start3A_72 : memref<100352x16xf32, #tpu.memory_space<hbm>>) target(%dma_start3A_66 : memref<80x16xf32, #tpu.memory_space<vmem>>) offsets(%dma_start3A_69 : memref<80xi32, #tpu.memory_space<vmem>>) semaphore(%dma_start3A_74 : memref<!tpu.dma_semaphore, #tpu.memory_space<semaphore_mem>>)
          %dma_start3A_75 = arith.constant 3 : i32
          %dma_start3A_76 = arith.constant 3 : i32
          %dma_start3A_77 = arith.constant 3 : i32
          %dma_start3A_78 = arith.constant 0 : i32
          %dma_start3A_79 = arith.constant 0 : i32
          %dma_start3A_80 = tpu.memref_slice %arg11[%dma_start3A_76, %dma_start3A_78, %dma_start3A_79] : memref<8x80x16xf32, #tpu.memory_space<vmem>> -> memref<1x80x16xf32, #tpu.memory_space<vmem>>
          %dma_start3A_81 = tpu.memref_squeeze %dma_start3A_80 : memref<1x80x16xf32, #tpu.memory_space<vmem>> -> memref<80x16xf32, #tpu.memory_space<vmem>>
          %dma_start3A_82 = arith.constant 0 : i32
          %dma_start3A_83 = tpu.memref_slice %arg9[%dma_start3A_75, %dma_start3A_82] : memref<40x80xi32, #tpu.memory_space<vmem>> -> memref<1x80xi32, #tpu.memory_space<vmem>>
          %dma_start3A_84 = tpu.memref_squeeze %dma_start3A_83 : memref<1x80xi32, #tpu.memory_space<vmem>> -> memref<80xi32, #tpu.memory_space<vmem>>
          %dma_start3A_85 = arith.constant 0 : i32
          %dma_start3A_86 = arith.constant 0 : i32
          %dma_start3A_87 = tpu.memref_slice %arg4[%dma_start3A_85, %dma_start3A_86] : memref<100352x16xf32, #tpu.memory_space<hbm>> -> memref<100352x16xf32, #tpu.memory_space<hbm>>
          %dma_start3A_88 = tpu.memref_slice %arg14[%dma_start3A_77] : memref<8x!tpu.dma_semaphore, #tpu.memory_space<semaphore_mem>> -> memref<1x!tpu.dma_semaphore, #tpu.memory_space<semaphore_mem>>
          %dma_start3A_89 = tpu.memref_squeeze %dma_start3A_88 : memref<1x!tpu.dma_semaphore, #tpu.memory_space<semaphore_mem>> -> memref<!tpu.dma_semaphore, #tpu.memory_space<semaphore_mem>>
          tpu.enqueue_indirect_dma source(%dma_start3A_87 : memref<100352x16xf32, #tpu.memory_space<hbm>>) target(%dma_start3A_81 : memref<80x16xf32, #tpu.memory_space<vmem>>) offsets(%dma_start3A_84 : memref<80xi32, #tpu.memory_space<vmem>>) semaphore(%dma_start3A_89 : memref<!tpu.dma_semaphore, #tpu.memory_space<semaphore_mem>>)
          %scan3A_90 = arith.constant 0 : i32
          %scan3A_91 = arith.constant 40 : i32
          %scan3A_92 = arith.addi %scan3A_90, %scan3A_91 : i32
          %scan3A_93 = arith.constant 1 : i32
          scf.for %scan3A_214 = %scan3A_90 to %scan3A_92 step %scan3A_93  : i32 {
            %jit3A = arith.constant 8 : i32
            %eq3A_215 = arith.constant 0 : i32
            %eq3A_216 = arith.cmpi eq, %jit3A, %eq3A_215 : i32
            %jit3A_217 = arith.constant 1 : i32
            %select_n3A = arith.select %eq3A_216, %jit3A_217, %jit3A : i32
            %rem3A = arith.remsi %scan3A_214, %select_n3A : i32
            %ne3A = arith.constant 0 : i32
            %ne3A_218 = arith.cmpi ne, %rem3A, %ne3A : i32
            %lt3A_219 = arith.constant 0 : i32
            %lt3A_220 = arith.cmpi slt, %rem3A, %lt3A_219 : i32
            %lt3A_221 = arith.constant 0 : i32
            %lt3A_222 = arith.cmpi slt, %select_n3A, %lt3A_221 : i32
            %ne3A_223 = arith.xori %lt3A_220, %lt3A_222 : i1
            %and3A = arith.andi %ne3A_223, %ne3A_218 : i1
            %add3A_224 = arith.addi %rem3A, %select_n3A : i32
            %select_n3A_225 = arith.select %and3A, %add3A_224, %rem3A : i32
            %dma_wait3A_226 = arith.constant 0 : i32
            %dma_wait3A_227 = arith.constant 0 : i32
            %dma_wait3A_228 = tpu.memref_slice %arg11[%select_n3A_225, %dma_wait3A_226, %dma_wait3A_227] : memref<8x80x16xf32, #tpu.memory_space<vmem>> -> memref<1x80x16xf32, #tpu.memory_space<vmem>>
            %dma_wait3A_229 = tpu.memref_squeeze %dma_wait3A_228 : memref<1x80x16xf32, #tpu.memory_space<vmem>> -> memref<80x16xf32, #tpu.memory_space<vmem>>
            %dma_wait3A_230 = arith.constant 0 : i32
            %dma_wait3A_231 = tpu.memref_slice %arg9[%scan3A_214, %dma_wait3A_230] : memref<40x80xi32, #tpu.memory_space<vmem>> -> memref<1x80xi32, #tpu.memory_space<vmem>>
            %dma_wait3A_232 = tpu.memref_squeeze %dma_wait3A_231 : memref<1x80xi32, #tpu.memory_space<vmem>> -> memref<80xi32, #tpu.memory_space<vmem>>
            %dma_wait3A_233 = arith.constant 0 : i32
            %dma_wait3A_234 = arith.constant 0 : i32
            %dma_wait3A_235 = tpu.memref_slice %arg4[%dma_wait3A_233, %dma_wait3A_234] : memref<100352x16xf32, #tpu.memory_space<hbm>> -> memref<100352x16xf32, #tpu.memory_space<hbm>>
            %dma_wait3A_236 = tpu.memref_slice %arg14[%select_n3A_225] : memref<8x!tpu.dma_semaphore, #tpu.memory_space<semaphore_mem>> -> memref<1x!tpu.dma_semaphore, #tpu.memory_space<semaphore_mem>>
            %dma_wait3A_237 = tpu.memref_squeeze %dma_wait3A_236 : memref<1x!tpu.dma_semaphore, #tpu.memory_space<semaphore_mem>> -> memref<!tpu.dma_semaphore, #tpu.memory_space<semaphore_mem>>
            tpu.wait_indirect_dma semaphore(%dma_wait3A_237 : memref<!tpu.dma_semaphore, #tpu.memory_space<semaphore_mem>>) src(%dma_wait3A_235 : memref<100352x16xf32, #tpu.memory_space<hbm>>) dst(%dma_wait3A_229 : memref<80x16xf32, #tpu.memory_space<vmem>>)
            %dma_start3A_238 = arith.constant 0 : i32
            %dma_start3A_239 = arith.constant 0 : i32
            %dma_start3A_240 = tpu.memref_slice %arg11[%select_n3A_225, %dma_start3A_238, %dma_start3A_239] : memref<8x80x16xf32, #tpu.memory_space<vmem>> -> memref<1x80x16xf32, #tpu.memory_space<vmem>>
            %dma_start3A_241 = tpu.memref_squeeze %dma_start3A_240 : memref<1x80x16xf32, #tpu.memory_space<vmem>> -> memref<80x16xf32, #tpu.memory_space<vmem>>
            %dma_start3A_242 = arith.constant 0 : i32
            %dma_start3A_243 = tpu.memref_slice %arg10[%scan3A_214, %dma_start3A_242] : memref<40x80xi32, #tpu.memory_space<vmem>> -> memref<1x80xi32, #tpu.memory_space<vmem>>
            %dma_start3A_244 = tpu.memref_squeeze %dma_start3A_243 : memref<1x80xi32, #tpu.memory_space<vmem>> -> memref<80xi32, #tpu.memory_space<vmem>>
            %dma_start3A_245 = arith.constant 0 : i32
            %dma_start3A_246 = arith.constant 0 : i32
            %dma_start3A_247 = tpu.memref_slice %arg13[%dma_start3A_245, %dma_start3A_246] : memref<100352x16xf32, #tpu.memory_space<vmem_shared>> -> memref<100352x16xf32, #tpu.memory_space<vmem_shared>>
            %dma_start3A_248 = tpu.memref_slice %arg15[%select_n3A_225] : memref<8x!tpu.dma_semaphore, #tpu.memory_space<semaphore_mem>> -> memref<1x!tpu.dma_semaphore, #tpu.memory_space<semaphore_mem>>
            %dma_start3A_249 = tpu.memref_squeeze %dma_start3A_248 : memref<1x!tpu.dma_semaphore, #tpu.memory_space<semaphore_mem>> -> memref<!tpu.dma_semaphore, #tpu.memory_space<semaphore_mem>>
            tpu.enqueue_indirect_dma source(%dma_start3A_241 : memref<80x16xf32, #tpu.memory_space<vmem>>) target(%dma_start3A_247 : memref<100352x16xf32, #tpu.memory_space<vmem_shared>>) offsets(%dma_start3A_244 : memref<80xi32, #tpu.memory_space<vmem>>) semaphore(%dma_start3A_249 : memref<!tpu.dma_semaphore, #tpu.memory_space<semaphore_mem>>) {add = true}
            %add3A_250 = arith.constant 4 : i32
            %add3A_251 = arith.addi %scan3A_214, %add3A_250 : i32
            %lt3A_252 = arith.constant 40 : i32
            %lt3A_253 = arith.cmpi slt, %add3A_251, %lt3A_252 : i32
            %convert_element_type3A_254 = arith.extui %lt3A_253 : i1 to i32
            %cond3A_255 = arith.constant 0 : i32
            %cond3A_256 = arith.cmpi ne, %convert_element_type3A_254, %cond3A_255 : i32
            scf.if %cond3A_256 {
              %add3A_257 = arith.constant 4 : i32
              %add3A_258 = arith.addi %scan3A_214, %add3A_257 : i32
              %jit3A_259 = arith.constant 8 : i32
              %eq3A_260 = arith.constant 0 : i32
              %eq3A_261 = arith.cmpi eq, %jit3A_259, %eq3A_260 : i32
              %jit3A_262 = arith.constant 1 : i32
              %select_n3A_263 = arith.select %eq3A_261, %jit3A_262, %jit3A_259 : i32
              %rem3A_264 = arith.remsi %add3A_258, %select_n3A_263 : i32
              %ne3A_265 = arith.constant 0 : i32
              %ne3A_266 = arith.cmpi ne, %rem3A_264, %ne3A_265 : i32
              %lt3A_267 = arith.constant 0 : i32
              %lt3A_268 = arith.cmpi slt, %rem3A_264, %lt3A_267 : i32
              %lt3A_269 = arith.constant 0 : i32
              %lt3A_270 = arith.cmpi slt, %select_n3A_263, %lt3A_269 : i32
              %ne3A_271 = arith.xori %lt3A_268, %lt3A_270 : i1
              %and3A_272 = arith.andi %ne3A_271, %ne3A_266 : i1
              %add3A_273 = arith.addi %rem3A_264, %select_n3A_263 : i32
              %select_n3A_274 = arith.select %and3A_272, %add3A_273, %rem3A_264 : i32
              %ge3A = arith.constant 4 : i32
              %ge3A_275 = arith.cmpi sge, %scan3A_214, %ge3A : i32
              %convert_element_type3A_276 = arith.extui %ge3A_275 : i1 to i32
              %cond3A_277 = arith.constant 0 : i32
              %cond3A_278 = arith.cmpi ne, %convert_element_type3A_276, %cond3A_277 : i32
              scf.if %cond3A_278 {
                %sub3A = arith.constant 4 : i32
                %sub3A_293 = arith.subi %scan3A_214, %sub3A : i32
                %dma_wait3A_294 = arith.constant 0 : i32
                %dma_wait3A_295 = arith.constant 0 : i32
                %dma_wait3A_296 = tpu.memref_slice %arg11[%select_n3A_274, %dma_wait3A_294, %dma_wait3A_295] : memref<8x80x16xf32, #tpu.memory_space<vmem>> -> memref<1x80x16xf32, #tpu.memory_space<vmem>>
                %dma_wait3A_297 = tpu.memref_squeeze %dma_wait3A_296 : memref<1x80x16xf32, #tpu.memory_space<vmem>> -> memref<80x16xf32, #tpu.memory_space<vmem>>
                %dma_wait3A_298 = arith.constant 0 : i32
                %dma_wait3A_299 = tpu.memref_slice %arg10[%sub3A_293, %dma_wait3A_298] : memref<40x80xi32, #tpu.memory_space<vmem>> -> memref<1x80xi32, #tpu.memory_space<vmem>>
                %dma_wait3A_300 = tpu.memref_squeeze %dma_wait3A_299 : memref<1x80xi32, #tpu.memory_space<vmem>> -> memref<80xi32, #tpu.memory_space<vmem>>
                %dma_wait3A_301 = arith.constant 0 : i32
                %dma_wait3A_302 = arith.constant 0 : i32
                %dma_wait3A_303 = tpu.memref_slice %arg13[%dma_wait3A_301, %dma_wait3A_302] : memref<100352x16xf32, #tpu.memory_space<vmem_shared>> -> memref<100352x16xf32, #tpu.memory_space<vmem_shared>>
                %dma_wait3A_304 = tpu.memref_slice %arg15[%select_n3A_274] : memref<8x!tpu.dma_semaphore, #tpu.memory_space<semaphore_mem>> -> memref<1x!tpu.dma_semaphore, #tpu.memory_space<semaphore_mem>>
                %dma_wait3A_305 = tpu.memref_squeeze %dma_wait3A_304 : memref<1x!tpu.dma_semaphore, #tpu.memory_space<semaphore_mem>> -> memref<!tpu.dma_semaphore, #tpu.memory_space<semaphore_mem>>
                tpu.wait_indirect_dma semaphore(%dma_wait3A_305 : memref<!tpu.dma_semaphore, #tpu.memory_space<semaphore_mem>>) src(%dma_wait3A_297 : memref<80x16xf32, #tpu.memory_space<vmem>>) dst(%dma_wait3A_303 : memref<100352x16xf32, #tpu.memory_space<vmem_shared>>)
              } else {
              }
              %add3A_279 = arith.constant 4 : i32
              %add3A_280 = arith.addi %scan3A_214, %add3A_279 : i32
              %dma_start3A_281 = arith.constant 0 : i32
              %dma_start3A_282 = arith.constant 0 : i32
              %dma_start3A_283 = tpu.memref_slice %arg11[%select_n3A_274, %dma_start3A_281, %dma_start3A_282] : memref<8x80x16xf32, #tpu.memory_space<vmem>> -> memref<1x80x16xf32, #tpu.memory_space<vmem>>
              %dma_start3A_284 = tpu.memref_squeeze %dma_start3A_283 : memref<1x80x16xf32, #tpu.memory_space<vmem>> -> memref<80x16xf32, #tpu.memory_space<vmem>>
              %dma_start3A_285 = arith.constant 0 : i32
              %dma_start3A_286 = tpu.memref_slice %arg9[%add3A_280, %dma_start3A_285] : memref<40x80xi32, #tpu.memory_space<vmem>> -> memref<1x80xi32, #tpu.memory_space<vmem>>
              %dma_start3A_287 = tpu.memref_squeeze %dma_start3A_286 : memref<1x80xi32, #tpu.memory_space<vmem>> -> memref<80xi32, #tpu.memory_space<vmem>>
              %dma_start3A_288 = arith.constant 0 : i32
              %dma_start3A_289 = arith.constant 0 : i32
              %dma_start3A_290 = tpu.memref_slice %arg4[%dma_start3A_288, %dma_start3A_289] : memref<100352x16xf32, #tpu.memory_space<hbm>> -> memref<100352x16xf32, #tpu.memory_space<hbm>>
              %dma_start3A_291 = tpu.memref_slice %arg14[%select_n3A_274] : memref<8x!tpu.dma_semaphore, #tpu.memory_space<semaphore_mem>> -> memref<1x!tpu.dma_semaphore, #tpu.memory_space<semaphore_mem>>
              %dma_start3A_292 = tpu.memref_squeeze %dma_start3A_291 : memref<1x!tpu.dma_semaphore, #tpu.memory_space<semaphore_mem>> -> memref<!tpu.dma_semaphore, #tpu.memory_space<semaphore_mem>>
              tpu.enqueue_indirect_dma source(%dma_start3A_290 : memref<100352x16xf32, #tpu.memory_space<hbm>>) target(%dma_start3A_284 : memref<80x16xf32, #tpu.memory_space<vmem>>) offsets(%dma_start3A_287 : memref<80xi32, #tpu.memory_space<vmem>>) semaphore(%dma_start3A_292 : memref<!tpu.dma_semaphore, #tpu.memory_space<semaphore_mem>>)
            } else {
            }
          }
          %scan3A_94 = arith.constant 40 : i32
          %dma_wait3A = arith.constant 0 : i32
          %dma_wait3A_95 = arith.constant 32 : i32
          %dma_wait3A_96 = arith.constant 0 : i32
          %dma_wait3A_97 = arith.constant 0 : i32
          %dma_wait3A_98 = arith.constant 0 : i32
          %dma_wait3A_99 = tpu.memref_slice %arg11[%dma_wait3A, %dma_wait3A_97, %dma_wait3A_98] : memref<8x80x16xf32, #tpu.memory_space<vmem>> -> memref<1x80x16xf32, #tpu.memory_space<vmem>>
          %dma_wait3A_100 = tpu.memref_squeeze %dma_wait3A_99 : memref<1x80x16xf32, #tpu.memory_space<vmem>> -> memref<80x16xf32, #tpu.memory_space<vmem>>
          %dma_wait3A_101 = arith.constant 0 : i32
          %dma_wait3A_102 = tpu.memref_slice %arg10[%dma_wait3A_95, %dma_wait3A_101] : memref<40x80xi32, #tpu.memory_space<vmem>> -> memref<1x80xi32, #tpu.memory_space<vmem>>
          %dma_wait3A_103 = tpu.memref_squeeze %dma_wait3A_102 : memref<1x80xi32, #tpu.memory_space<vmem>> -> memref<80xi32, #tpu.memory_space<vmem>>
          %dma_wait3A_104 = arith.constant 0 : i32
          %dma_wait3A_105 = arith.constant 0 : i32
          %dma_wait3A_106 = tpu.memref_slice %arg13[%dma_wait3A_104, %dma_wait3A_105] : memref<100352x16xf32, #tpu.memory_space<vmem_shared>> -> memref<100352x16xf32, #tpu.memory_space<vmem_shared>>
          %dma_wait3A_107 = tpu.memref_slice %arg15[%dma_wait3A_96] : memref<8x!tpu.dma_semaphore, #tpu.memory_space<semaphore_mem>> -> memref<1x!tpu.dma_semaphore, #tpu.memory_space<semaphore_mem>>
          %dma_wait3A_108 = tpu.memref_squeeze %dma_wait3A_107 : memref<1x!tpu.dma_semaphore, #tpu.memory_space<semaphore_mem>> -> memref<!tpu.dma_semaphore, #tpu.memory_space<semaphore_mem>>
          tpu.wait_indirect_dma semaphore(%dma_wait3A_108 : memref<!tpu.dma_semaphore, #tpu.memory_space<semaphore_mem>>) src(%dma_wait3A_100 : memref<80x16xf32, #tpu.memory_space<vmem>>) dst(%dma_wait3A_106 : memref<100352x16xf32, #tpu.memory_space<vmem_shared>>)
          %dma_wait3A_109 = arith.constant 1 : i32
          %dma_wait3A_110 = arith.constant 33 : i32
          %dma_wait3A_111 = arith.constant 1 : i32
          %dma_wait3A_112 = arith.constant 0 : i32
          %dma_wait3A_113 = arith.constant 0 : i32
          %dma_wait3A_114 = tpu.memref_slice %arg11[%dma_wait3A_109, %dma_wait3A_112, %dma_wait3A_113] : memref<8x80x16xf32, #tpu.memory_space<vmem>> -> memref<1x80x16xf32, #tpu.memory_space<vmem>>
          %dma_wait3A_115 = tpu.memref_squeeze %dma_wait3A_114 : memref<1x80x16xf32, #tpu.memory_space<vmem>> -> memref<80x16xf32, #tpu.memory_space<vmem>>
          %dma_wait3A_116 = arith.constant 0 : i32
          %dma_wait3A_117 = tpu.memref_slice %arg10[%dma_wait3A_110, %dma_wait3A_116] : memref<40x80xi32, #tpu.memory_space<vmem>> -> memref<1x80xi32, #tpu.memory_space<vmem>>
          %dma_wait3A_118 = tpu.memref_squeeze %dma_wait3A_117 : memref<1x80xi32, #tpu.memory_space<vmem>> -> memref<80xi32, #tpu.memory_space<vmem>>
          %dma_wait3A_119 = arith.constant 0 : i32
          %dma_wait3A_120 = arith.constant 0 : i32
          %dma_wait3A_121 = tpu.memref_slice %arg13[%dma_wait3A_119, %dma_wait3A_120] : memref<100352x16xf32, #tpu.memory_space<vmem_shared>> -> memref<100352x16xf32, #tpu.memory_space<vmem_shared>>
          %dma_wait3A_122 = tpu.memref_slice %arg15[%dma_wait3A_111] : memref<8x!tpu.dma_semaphore, #tpu.memory_space<semaphore_mem>> -> memref<1x!tpu.dma_semaphore, #tpu.memory_space<semaphore_mem>>
          %dma_wait3A_123 = tpu.memref_squeeze %dma_wait3A_122 : memref<1x!tpu.dma_semaphore, #tpu.memory_space<semaphore_mem>> -> memref<!tpu.dma_semaphore, #tpu.memory_space<semaphore_mem>>
          tpu.wait_indirect_dma semaphore(%dma_wait3A_123 : memref<!tpu.dma_semaphore, #tpu.memory_space<semaphore_mem>>) src(%dma_wait3A_115 : memref<80x16xf32, #tpu.memory_space<vmem>>) dst(%dma_wait3A_121 : memref<100352x16xf32, #tpu.memory_space<vmem_shared>>)
          %dma_wait3A_124 = arith.constant 2 : i32
          %dma_wait3A_125 = arith.constant 34 : i32
          %dma_wait3A_126 = arith.constant 2 : i32
          %dma_wait3A_127 = arith.constant 0 : i32
          %dma_wait3A_128 = arith.constant 0 : i32
          %dma_wait3A_129 = tpu.memref_slice %arg11[%dma_wait3A_124, %dma_wait3A_127, %dma_wait3A_128] : memref<8x80x16xf32, #tpu.memory_space<vmem>> -> memref<1x80x16xf32, #tpu.memory_space<vmem>>
          %dma_wait3A_130 = tpu.memref_squeeze %dma_wait3A_129 : memref<1x80x16xf32, #tpu.memory_space<vmem>> -> memref<80x16xf32, #tpu.memory_space<vmem>>
          %dma_wait3A_131 = arith.constant 0 : i32
          %dma_wait3A_132 = tpu.memref_slice %arg10[%dma_wait3A_125, %dma_wait3A_131] : memref<40x80xi32, #tpu.memory_space<vmem>> -> memref<1x80xi32, #tpu.memory_space<vmem>>
          %dma_wait3A_133 = tpu.memref_squeeze %dma_wait3A_132 : memref<1x80xi32, #tpu.memory_space<vmem>> -> memref<80xi32, #tpu.memory_space<vmem>>
          %dma_wait3A_134 = arith.constant 0 : i32
          %dma_wait3A_135 = arith.constant 0 : i32
          %dma_wait3A_136 = tpu.memref_slice %arg13[%dma_wait3A_134, %dma_wait3A_135] : memref<100352x16xf32, #tpu.memory_space<vmem_shared>> -> memref<100352x16xf32, #tpu.memory_space<vmem_shared>>
          %dma_wait3A_137 = tpu.memref_slice %arg15[%dma_wait3A_126] : memref<8x!tpu.dma_semaphore, #tpu.memory_space<semaphore_mem>> -> memref<1x!tpu.dma_semaphore, #tpu.memory_space<semaphore_mem>>
          %dma_wait3A_138 = tpu.memref_squeeze %dma_wait3A_137 : memref<1x!tpu.dma_semaphore, #tpu.memory_space<semaphore_mem>> -> memref<!tpu.dma_semaphore, #tpu.memory_space<semaphore_mem>>
          tpu.wait_indirect_dma semaphore(%dma_wait3A_138 : memref<!tpu.dma_semaphore, #tpu.memory_space<semaphore_mem>>) src(%dma_wait3A_130 : memref<80x16xf32, #tpu.memory_space<vmem>>) dst(%dma_wait3A_136 : memref<100352x16xf32, #tpu.memory_space<vmem_shared>>)
          %dma_wait3A_139 = arith.constant 3 : i32
          %dma_wait3A_140 = arith.constant 35 : i32
          %dma_wait3A_141 = arith.constant 3 : i32
          %dma_wait3A_142 = arith.constant 0 : i32
          %dma_wait3A_143 = arith.constant 0 : i32
          %dma_wait3A_144 = tpu.memref_slice %arg11[%dma_wait3A_139, %dma_wait3A_142, %dma_wait3A_143] : memref<8x80x16xf32, #tpu.memory_space<vmem>> -> memref<1x80x16xf32, #tpu.memory_space<vmem>>
          %dma_wait3A_145 = tpu.memref_squeeze %dma_wait3A_144 : memref<1x80x16xf32, #tpu.memory_space<vmem>> -> memref<80x16xf32, #tpu.memory_space<vmem>>
          %dma_wait3A_146 = arith.constant 0 : i32
          %dma_wait3A_147 = tpu.memref_slice %arg10[%dma_wait3A_140, %dma_wait3A_146] : memref<40x80xi32, #tpu.memory_space<vmem>> -> memref<1x80xi32, #tpu.memory_space<vmem>>
          %dma_wait3A_148 = tpu.memref_squeeze %dma_wait3A_147 : memref<1x80xi32, #tpu.memory_space<vmem>> -> memref<80xi32, #tpu.memory_space<vmem>>
          %dma_wait3A_149 = arith.constant 0 : i32
          %dma_wait3A_150 = arith.constant 0 : i32
          %dma_wait3A_151 = tpu.memref_slice %arg13[%dma_wait3A_149, %dma_wait3A_150] : memref<100352x16xf32, #tpu.memory_space<vmem_shared>> -> memref<100352x16xf32, #tpu.memory_space<vmem_shared>>
          %dma_wait3A_152 = tpu.memref_slice %arg15[%dma_wait3A_141] : memref<8x!tpu.dma_semaphore, #tpu.memory_space<semaphore_mem>> -> memref<1x!tpu.dma_semaphore, #tpu.memory_space<semaphore_mem>>
          %dma_wait3A_153 = tpu.memref_squeeze %dma_wait3A_152 : memref<1x!tpu.dma_semaphore, #tpu.memory_space<semaphore_mem>> -> memref<!tpu.dma_semaphore, #tpu.memory_space<semaphore_mem>>
          tpu.wait_indirect_dma semaphore(%dma_wait3A_153 : memref<!tpu.dma_semaphore, #tpu.memory_space<semaphore_mem>>) src(%dma_wait3A_145 : memref<80x16xf32, #tpu.memory_space<vmem>>) dst(%dma_wait3A_151 : memref<100352x16xf32, #tpu.memory_space<vmem_shared>>)
          %dma_wait3A_154 = arith.constant 4 : i32
          %dma_wait3A_155 = arith.constant 36 : i32
          %dma_wait3A_156 = arith.constant 4 : i32
          %dma_wait3A_157 = arith.constant 0 : i32
          %dma_wait3A_158 = arith.constant 0 : i32
          %dma_wait3A_159 = tpu.memref_slice %arg11[%dma_wait3A_154, %dma_wait3A_157, %dma_wait3A_158] : memref<8x80x16xf32, #tpu.memory_space<vmem>> -> memref<1x80x16xf32, #tpu.memory_space<vmem>>
          %dma_wait3A_160 = tpu.memref_squeeze %dma_wait3A_159 : memref<1x80x16xf32, #tpu.memory_space<vmem>> -> memref<80x16xf32, #tpu.memory_space<vmem>>
          %dma_wait3A_161 = arith.constant 0 : i32
          %dma_wait3A_162 = tpu.memref_slice %arg10[%dma_wait3A_155, %dma_wait3A_161] : memref<40x80xi32, #tpu.memory_space<vmem>> -> memref<1x80xi32, #tpu.memory_space<vmem>>
          %dma_wait3A_163 = tpu.memref_squeeze %dma_wait3A_162 : memref<1x80xi32, #tpu.memory_space<vmem>> -> memref<80xi32, #tpu.memory_space<vmem>>
          %dma_wait3A_164 = arith.constant 0 : i32
          %dma_wait3A_165 = arith.constant 0 : i32
          %dma_wait3A_166 = tpu.memref_slice %arg13[%dma_wait3A_164, %dma_wait3A_165] : memref<100352x16xf32, #tpu.memory_space<vmem_shared>> -> memref<100352x16xf32, #tpu.memory_space<vmem_shared>>
          %dma_wait3A_167 = tpu.memref_slice %arg15[%dma_wait3A_156] : memref<8x!tpu.dma_semaphore, #tpu.memory_space<semaphore_mem>> -> memref<1x!tpu.dma_semaphore, #tpu.memory_space<semaphore_mem>>
          %dma_wait3A_168 = tpu.memref_squeeze %dma_wait3A_167 : memref<1x!tpu.dma_semaphore, #tpu.memory_space<semaphore_mem>> -> memref<!tpu.dma_semaphore, #tpu.memory_space<semaphore_mem>>
          tpu.wait_indirect_dma semaphore(%dma_wait3A_168 : memref<!tpu.dma_semaphore, #tpu.memory_space<semaphore_mem>>) src(%dma_wait3A_160 : memref<80x16xf32, #tpu.memory_space<vmem>>) dst(%dma_wait3A_166 : memref<100352x16xf32, #tpu.memory_space<vmem_shared>>)
          %dma_wait3A_169 = arith.constant 5 : i32
          %dma_wait3A_170 = arith.constant 37 : i32
          %dma_wait3A_171 = arith.constant 5 : i32
          %dma_wait3A_172 = arith.constant 0 : i32
          %dma_wait3A_173 = arith.constant 0 : i32
          %dma_wait3A_174 = tpu.memref_slice %arg11[%dma_wait3A_169, %dma_wait3A_172, %dma_wait3A_173] : memref<8x80x16xf32, #tpu.memory_space<vmem>> -> memref<1x80x16xf32, #tpu.memory_space<vmem>>
          %dma_wait3A_175 = tpu.memref_squeeze %dma_wait3A_174 : memref<1x80x16xf32, #tpu.memory_space<vmem>> -> memref<80x16xf32, #tpu.memory_space<vmem>>
          %dma_wait3A_176 = arith.constant 0 : i32
          %dma_wait3A_177 = tpu.memref_slice %arg10[%dma_wait3A_170, %dma_wait3A_176] : memref<40x80xi32, #tpu.memory_space<vmem>> -> memref<1x80xi32, #tpu.memory_space<vmem>>
          %dma_wait3A_178 = tpu.memref_squeeze %dma_wait3A_177 : memref<1x80xi32, #tpu.memory_space<vmem>> -> memref<80xi32, #tpu.memory_space<vmem>>
          %dma_wait3A_179 = arith.constant 0 : i32
          %dma_wait3A_180 = arith.constant 0 : i32
          %dma_wait3A_181 = tpu.memref_slice %arg13[%dma_wait3A_179, %dma_wait3A_180] : memref<100352x16xf32, #tpu.memory_space<vmem_shared>> -> memref<100352x16xf32, #tpu.memory_space<vmem_shared>>
          %dma_wait3A_182 = tpu.memref_slice %arg15[%dma_wait3A_171] : memref<8x!tpu.dma_semaphore, #tpu.memory_space<semaphore_mem>> -> memref<1x!tpu.dma_semaphore, #tpu.memory_space<semaphore_mem>>
          %dma_wait3A_183 = tpu.memref_squeeze %dma_wait3A_182 : memref<1x!tpu.dma_semaphore, #tpu.memory_space<semaphore_mem>> -> memref<!tpu.dma_semaphore, #tpu.memory_space<semaphore_mem>>
          tpu.wait_indirect_dma semaphore(%dma_wait3A_183 : memref<!tpu.dma_semaphore, #tpu.memory_space<semaphore_mem>>) src(%dma_wait3A_175 : memref<80x16xf32, #tpu.memory_space<vmem>>) dst(%dma_wait3A_181 : memref<100352x16xf32, #tpu.memory_space<vmem_shared>>)
          %dma_wait3A_184 = arith.constant 6 : i32
          %dma_wait3A_185 = arith.constant 38 : i32
          %dma_wait3A_186 = arith.constant 6 : i32
          %dma_wait3A_187 = arith.constant 0 : i32
          %dma_wait3A_188 = arith.constant 0 : i32
          %dma_wait3A_189 = tpu.memref_slice %arg11[%dma_wait3A_184, %dma_wait3A_187, %dma_wait3A_188] : memref<8x80x16xf32, #tpu.memory_space<vmem>> -> memref<1x80x16xf32, #tpu.memory_space<vmem>>
          %dma_wait3A_190 = tpu.memref_squeeze %dma_wait3A_189 : memref<1x80x16xf32, #tpu.memory_space<vmem>> -> memref<80x16xf32, #tpu.memory_space<vmem>>
          %dma_wait3A_191 = arith.constant 0 : i32
          %dma_wait3A_192 = tpu.memref_slice %arg10[%dma_wait3A_185, %dma_wait3A_191] : memref<40x80xi32, #tpu.memory_space<vmem>> -> memref<1x80xi32, #tpu.memory_space<vmem>>
          %dma_wait3A_193 = tpu.memref_squeeze %dma_wait3A_192 : memref<1x80xi32, #tpu.memory_space<vmem>> -> memref<80xi32, #tpu.memory_space<vmem>>
          %dma_wait3A_194 = arith.constant 0 : i32
          %dma_wait3A_195 = arith.constant 0 : i32
          %dma_wait3A_196 = tpu.memref_slice %arg13[%dma_wait3A_194, %dma_wait3A_195] : memref<100352x16xf32, #tpu.memory_space<vmem_shared>> -> memref<100352x16xf32, #tpu.memory_space<vmem_shared>>
          %dma_wait3A_197 = tpu.memref_slice %arg15[%dma_wait3A_186] : memref<8x!tpu.dma_semaphore, #tpu.memory_space<semaphore_mem>> -> memref<1x!tpu.dma_semaphore, #tpu.memory_space<semaphore_mem>>
          %dma_wait3A_198 = tpu.memref_squeeze %dma_wait3A_197 : memref<1x!tpu.dma_semaphore, #tpu.memory_space<semaphore_mem>> -> memref<!tpu.dma_semaphore, #tpu.memory_space<semaphore_mem>>
          tpu.wait_indirect_dma semaphore(%dma_wait3A_198 : memref<!tpu.dma_semaphore, #tpu.memory_space<semaphore_mem>>) src(%dma_wait3A_190 : memref<80x16xf32, #tpu.memory_space<vmem>>) dst(%dma_wait3A_196 : memref<100352x16xf32, #tpu.memory_space<vmem_shared>>)
          %dma_wait3A_199 = arith.constant 7 : i32
          %dma_wait3A_200 = arith.constant 39 : i32
          %dma_wait3A_201 = arith.constant 7 : i32
          %dma_wait3A_202 = arith.constant 0 : i32
          %dma_wait3A_203 = arith.constant 0 : i32
          %dma_wait3A_204 = tpu.memref_slice %arg11[%dma_wait3A_199, %dma_wait3A_202, %dma_wait3A_203] : memref<8x80x16xf32, #tpu.memory_space<vmem>> -> memref<1x80x16xf32, #tpu.memory_space<vmem>>
          %dma_wait3A_205 = tpu.memref_squeeze %dma_wait3A_204 : memref<1x80x16xf32, #tpu.memory_space<vmem>> -> memref<80x16xf32, #tpu.memory_space<vmem>>
          %dma_wait3A_206 = arith.constant 0 : i32
          %dma_wait3A_207 = tpu.memref_slice %arg10[%dma_wait3A_200, %dma_wait3A_206] : memref<40x80xi32, #tpu.memory_space<vmem>> -> memref<1x80xi32, #tpu.memory_space<vmem>>
          %dma_wait3A_208 = tpu.memref_squeeze %dma_wait3A_207 : memref<1x80xi32, #tpu.memory_space<vmem>> -> memref<80xi32, #tpu.memory_space<vmem>>
          %dma_wait3A_209 = arith.constant 0 : i32
          %dma_wait3A_210 = arith.constant 0 : i32
          %dma_wait3A_211 = tpu.memref_slice %arg13[%dma_wait3A_209, %dma_wait3A_210] : memref<100352x16xf32, #tpu.memory_space<vmem_shared>> -> memref<100352x16xf32, #tpu.memory_space<vmem_shared>>
          %dma_wait3A_212 = tpu.memref_slice %arg15[%dma_wait3A_201] : memref<8x!tpu.dma_semaphore, #tpu.memory_space<semaphore_mem>> -> memref<1x!tpu.dma_semaphore, #tpu.memory_space<semaphore_mem>>
          %dma_wait3A_213 = tpu.memref_squeeze %dma_wait3A_212 : memref<1x!tpu.dma_semaphore, #tpu.memory_space<semaphore_mem>> -> memref<!tpu.dma_semaphore, #tpu.memory_space<semaphore_mem>>
          tpu.wait_indirect_dma semaphore(%dma_wait3A_213 : memref<!tpu.dma_semaphore, #tpu.memory_space<semaphore_mem>>) src(%dma_wait3A_205 : memref<80x16xf32, #tpu.memory_space<vmem>>) dst(%dma_wait3A_211 : memref<100352x16xf32, #tpu.memory_space<vmem_shared>>)
        } else {
        }
      }
      %scan3A_15 = arith.constant 32 : i32
      %barrier3A_16 = arith.constant 0 : index
      tpu.barrier barrier_id(%barrier3A_16)
      %scan3A_17 = arith.constant 0 : i32
      %scan3A_18 = arith.constant 13 : i32
      %scan3A_19 = arith.addi %scan3A_17, %scan3A_18 : i32
      %scan3A_20 = arith.constant 1 : i32
      scf.for %scan3A_22 = %scan3A_17 to %scan3A_19 step %scan3A_20  : i32 {
        %mul3A = arith.constant 16 : i32
        %mul3A_23 = arith.muli %scan3A_22, %mul3A : i32
        %add3A = arith.addi %arg1, %mul3A_23 : i32
        %lt3A = arith.constant 196 : i32
        %lt3A_24 = arith.cmpi slt, %add3A, %lt3A : i32
        %convert_element_type3A_25 = arith.extui %lt3A_24 : i1 to i32
        %cond3A_26 = arith.constant 0 : i32
        %cond3A_27 = arith.cmpi ne, %convert_element_type3A_25, %cond3A_26 : i32
        scf.if %cond3A_27 {
          %mul3A_28 = arith.constant 512 : i32
          %mul3A_29 = arith.muli %add3A, %mul3A_28 : i32
          %multiple_of3A = tpu.assume_multiple %mul3A_29, 8 : i32
          "tpu.region"() ({
            %run_scoped3A = tpu.sem_alloc : memref<!tpu.dma_semaphore, #tpu.memory_space<semaphore_mem>>
            %dma_start3A = arith.constant 0 : i32
            %dma_start3A_30 = tpu.memref_slice %arg13[%multiple_of3A, %dma_start3A] : memref<100352x16xf32, #tpu.memory_space<vmem_shared>> -> memref<512x16xf32, #tpu.memory_space<vmem_shared>>
            %dma_start3A_31 = arith.constant 0 : i32
            %dma_start3A_32 = tpu.memref_slice %arg13[%multiple_of3A, %dma_start3A_31] : memref<100352x16xf32, #tpu.memory_space<vmem_shared>> -> memref<512x16xf32, #tpu.memory_space<vmem_shared>>
            tpu.enqueue_dma source(%dma_start3A_32 : memref<512x16xf32, #tpu.memory_space<vmem_shared>>) target(%arg12 : memref<512x16xf32, #tpu.memory_space<vmem>>) target_semaphore(%run_scoped3A : memref<!tpu.dma_semaphore, #tpu.memory_space<semaphore_mem>>)
            %dma_wait3A = arith.constant 0 : i32
            %dma_wait3A_33 = tpu.memref_slice %arg13[%multiple_of3A, %dma_wait3A] : memref<100352x16xf32, #tpu.memory_space<vmem_shared>> -> memref<512x16xf32, #tpu.memory_space<vmem_shared>>
            %dma_wait3A_34 = arith.constant 0 : i32
            %dma_wait3A_35 = tpu.memref_slice %arg13[%multiple_of3A, %dma_wait3A_34] : memref<100352x16xf32, #tpu.memory_space<vmem_shared>> -> memref<512x16xf32, #tpu.memory_space<vmem_shared>>
            tpu.wait_dma2 semaphore(%run_scoped3A : memref<!tpu.dma_semaphore, #tpu.memory_space<semaphore_mem>>) src(%dma_wait3A_35 : memref<512x16xf32, #tpu.memory_space<vmem_shared>>) dst(%arg12 : memref<512x16xf32, #tpu.memory_space<vmem>>)
            tpu.yield
          }) : () -> ()
          "tpu.region"() ({
            %run_scoped3A = tpu.sem_alloc : memref<!tpu.dma_semaphore, #tpu.memory_space<semaphore_mem>>
            %dma_start3A = arith.constant 0 : i32
            %dma_start3A_30 = tpu.memref_slice %arg8[%multiple_of3A, %dma_start3A] : memref<100352x16xf32, #tpu.memory_space<hbm>> -> memref<512x16xf32, #tpu.memory_space<hbm>>
            %dma_start3A_31 = arith.constant 0 : i32
            %dma_start3A_32 = tpu.memref_slice %arg8[%multiple_of3A, %dma_start3A_31] : memref<100352x16xf32, #tpu.memory_space<hbm>> -> memref<512x16xf32, #tpu.memory_space<hbm>>
            tpu.enqueue_dma source(%arg12 : memref<512x16xf32, #tpu.memory_space<vmem>>) target(%dma_start3A_32 : memref<512x16xf32, #tpu.memory_space<hbm>>) target_semaphore(%run_scoped3A : memref<!tpu.dma_semaphore, #tpu.memory_space<semaphore_mem>>)
            %dma_wait3A = arith.constant 0 : i32
            %dma_wait3A_33 = tpu.memref_slice %arg8[%multiple_of3A, %dma_wait3A] : memref<100352x16xf32, #tpu.memory_space<hbm>> -> memref<512x16xf32, #tpu.memory_space<hbm>>
            %dma_wait3A_34 = arith.constant 0 : i32
            %dma_wait3A_35 = tpu.memref_slice %arg8[%multiple_of3A, %dma_wait3A_34] : memref<100352x16xf32, #tpu.memory_space<hbm>> -> memref<512x16xf32, #tpu.memory_space<hbm>>
            tpu.wait_dma2 semaphore(%run_scoped3A : memref<!tpu.dma_semaphore, #tpu.memory_space<semaphore_mem>>) src(%arg12 : memref<512x16xf32, #tpu.memory_space<vmem>>) dst(%dma_wait3A_35 : memref<512x16xf32, #tpu.memory_space<hbm>>)
            tpu.yield
          }) : () -> ()
        } else {
        }
      }
      %scan3A_21 = arith.constant 13 : i32
    } else {
    }
    return
  }
}

module attributes {stable_mosaic.version = 14 : i64} {
  func.func @_encoder_body(%arg0: i32, %arg1: memref<1024x128xf32, #tpu.memory_space<vmem>>, %arg2: memref<1x1024xi32, #tpu.memory_space<vmem>>, %arg3: memref<128x64xf32, #tpu.memory_space<vmem>>, %arg4: memref<128x32xf32, #tpu.memory_space<vmem>>, %arg5: memref<1x32xf32, #tpu.memory_space<vmem>>, %arg6: memref<64x32xf32, #tpu.memory_space<vmem>>, %arg7: memref<1x32xf32, #tpu.memory_space<vmem>>, %arg8: memref<96x32xf32, #tpu.memory_space<vmem>>, %arg9: memref<1x32xf32, #tpu.memory_space<vmem>>, %arg10: memref<32x32xf32, #tpu.memory_space<vmem>>, %arg11: memref<1x32xf32, #tpu.memory_space<vmem>>, %arg12: memref<32x32xf32, #tpu.memory_space<vmem>>, %arg13: memref<1x32xf32, #tpu.memory_space<vmem>>, %arg14: memref<128x128xf32, #tpu.memory_space<vmem>>, %arg15: memref<128x128xf32, #tpu.memory_space<vmem>>, %arg16: memref<128x128xf32, #tpu.memory_space<vmem>>, %arg17: memref<128x128xf32, #tpu.memory_space<vmem>>) attributes {dimension_semantics = [#tpu.dimension_semantics<arbitrary>], iteration_bounds = array<i64: 98>, scalar_prefetch = 0 : i64, scratch_operands = 0 : i64, tpu.core_type = #tpu.core_type<tc>, window_params = [{transform_indices = @transform_0, window_bounds = array<i64: 1024, 128>}, {transform_indices = @transform_1, window_bounds = array<i64: 1, 1024>}, {pipeline_mode = #tpu.pipeline_mode<synchronous>, transform_indices = @transform_2, window_bounds = array<i64: 128, 64>}, {pipeline_mode = #tpu.pipeline_mode<synchronous>, transform_indices = @transform_3, window_bounds = array<i64: 128, 32>}, {pipeline_mode = #tpu.pipeline_mode<synchronous>, transform_indices = @transform_4, window_bounds = array<i64: 1, 32>}, {pipeline_mode = #tpu.pipeline_mode<synchronous>, transform_indices = @transform_5, window_bounds = array<i64: 64, 32>}, {pipeline_mode = #tpu.pipeline_mode<synchronous>, transform_indices = @transform_6, window_bounds = array<i64: 1, 32>}, {pipeline_mode = #tpu.pipeline_mode<synchronous>, transform_indices = @transform_7, window_bounds = array<i64: 96, 32>}, {pipeline_mode = #tpu.pipeline_mode<synchronous>, transform_indices = @transform_8, window_bounds = array<i64: 1, 32>}, {pipeline_mode = #tpu.pipeline_mode<synchronous>, transform_indices = @transform_9, window_bounds = array<i64: 32, 32>}, {pipeline_mode = #tpu.pipeline_mode<synchronous>, transform_indices = @transform_10, window_bounds = array<i64: 1, 32>}, {pipeline_mode = #tpu.pipeline_mode<synchronous>, transform_indices = @transform_11, window_bounds = array<i64: 32, 32>}, {pipeline_mode = #tpu.pipeline_mode<synchronous>, transform_indices = @transform_12, window_bounds = array<i64: 1, 32>}, {transform_indices = @transform_13, window_bounds = array<i64: 128, 128>}, {transform_indices = @transform_14, window_bounds = array<i64: 128, 128>}, {transform_indices = @transform_15, window_bounds = array<i64: 128, 128>}, {transform_indices = @transform_16, window_bounds = array<i64: 128, 128>}]} {
    %get3A = arith.constant 0 : index
    %get3A_0 = arith.constant 0 : index
    %get3A_1 = vector.load %arg3[%get3A, %get3A_0] : memref<128x64xf32, #tpu.memory_space<vmem>>, vector<128x64xf32>
    %get3A_2 = arith.constant 0 : index
    %get3A_3 = arith.constant 0 : index
    %get3A_4 = vector.load %arg6[%get3A_2, %get3A_3] : memref<64x32xf32, #tpu.memory_space<vmem>>, vector<64x32xf32>
    %dot_general3A = arith.constant dense<0.000000e+00> : vector<128x32xf32>
    %dot_general3A_5 = tpu.matmul %get3A_1, %get3A_4, %dot_general3A {dimension_numbers = #tpu.dot_dimension_numbers<[1], [0], [0], [1], [0, 0, 1, 1], [], []>, transpose_lhs_hint = false} : vector<128x64xf32>, vector<64x32xf32>, vector<128x32xf32> -> vector<128x32xf32>
    %get3A_6 = arith.constant 0 : index
    %get3A_7 = arith.constant 0 : index
    %get3A_8 = vector.load %arg7[%get3A_6, %get3A_7] : memref<1x32xf32, #tpu.memory_space<vmem>>, vector<1x32xf32>
    %add3A = vector.broadcast %get3A_8 : vector<1x32xf32> to vector<128x32xf32>
    %add3A_9 = arith.addf %dot_general3A_5, %add3A : vector<128x32xf32>
    %max3A = arith.constant 0.000000e+00 : f32
    %max3A_10 = vector.broadcast %max3A : f32 to vector<128x32xf32>
    %max3A_11 = arith.maximumf %add3A_9, %max3A_10 : vector<128x32xf32>
    %get3A_12 = arith.constant 0 : index
    %get3A_13 = arith.constant 0 : index
    %get3A_14 = vector.load %arg8[%get3A_12, %get3A_13] : memref<96x32xf32, #tpu.memory_space<vmem>>, vector<96x32xf32>
    %get3A_15 = arith.constant 0 : index
    %get3A_16 = arith.constant 0 : index
    %get3A_17 = vector.load %arg1[%get3A_15, %get3A_16] : memref<1024x128xf32, #tpu.memory_space<vmem>>, vector<1024x128xf32>
    %get3A_18 = arith.constant 0 : index
    %get3A_19 = arith.constant 0 : index
    %get3A_20 = vector.load %arg4[%get3A_18, %get3A_19] : memref<128x32xf32, #tpu.memory_space<vmem>>, vector<128x32xf32>
    %dot_general3A_21 = arith.constant dense<0.000000e+00> : vector<1024x32xf32>
    %dot_general3A_22 = tpu.matmul %get3A_17, %get3A_20, %dot_general3A_21 {dimension_numbers = #tpu.dot_dimension_numbers<[1], [0], [0], [1], [0, 0, 1, 1], [], []>, transpose_lhs_hint = false} : vector<1024x128xf32>, vector<128x32xf32>, vector<1024x32xf32> -> vector<1024x32xf32>
    %get3A_23 = arith.constant 0 : index
    %get3A_24 = arith.constant 0 : index
    %get3A_25 = vector.load %arg5[%get3A_23, %get3A_24] : memref<1x32xf32, #tpu.memory_space<vmem>>, vector<1x32xf32>
    %add3A_26 = vector.broadcast %get3A_25 : vector<1x32xf32> to vector<1024x32xf32>
    %add3A_27 = arith.addf %dot_general3A_22, %add3A_26 : vector<1024x32xf32>
    %max3A_28 = arith.constant 0.000000e+00 : f32
    %max3A_29 = vector.broadcast %max3A_28 : f32 to vector<1024x32xf32>
    %max3A_30 = arith.maximumf %add3A_27, %max3A_29 : vector<1024x32xf32>
    %get3A_31 = arith.constant 0 : index
    %get3A_32 = arith.constant 0 : index
    %get3A_33 = vector.load %arg2[%get3A_31, %get3A_32] : memref<1x1024xi32, #tpu.memory_space<vmem>>, vector<1x1024xi32>
    %get3A_34 = vector.shape_cast %get3A_33 : vector<1x1024xi32> to vector<1024xi32>
    %broadcast_in_dim3A = vector.shape_cast %get3A_34 : vector<1024xi32> to vector<1024x1xi32>
    %iota3A = tpu.iota {dimensions = array<i32: 1>} : vector<1024x128xi32>
    %eq3A = vector.broadcast %broadcast_in_dim3A : vector<1024x1xi32> to vector<1024x128xi32>
    %eq3A_35 = arith.cmpi eq, %eq3A, %iota3A : vector<1024x128xi32>
    %convert_element_type3A = arith.extui %eq3A_35 : vector<1024x128xi1> to vector<1024x128xi32>
    %convert_element_type3A_36 = arith.sitofp %convert_element_type3A : vector<1024x128xi32> to vector<1024x128xf32>
    %dot_general3A_37 = arith.constant dense<0.000000e+00> : vector<1024x32xf32>
    %dot_general3A_38 = tpu.matmul %convert_element_type3A_36, %max3A_11, %dot_general3A_37 {dimension_numbers = #tpu.dot_dimension_numbers<[1], [0], [0], [1], [0, 0, 1, 1], [], []>, transpose_lhs_hint = false} : vector<1024x128xf32>, vector<128x32xf32>, vector<1024x32xf32> -> vector<1024x32xf32>
    %mul3A = arith.mulf %max3A_30, %dot_general3A_38 : vector<1024x32xf32>
    %slice3A = vector.extract_strided_slice %get3A_14 {offsets = [0, 0], sizes = [32, 32], strides = [1, 1]} : vector<96x32xf32> to vector<32x32xf32>
    %dot_general3A_39 = arith.constant dense<0.000000e+00> : vector<1024x32xf32>
    %dot_general3A_40 = tpu.matmul %max3A_30, %slice3A, %dot_general3A_39 {dimension_numbers = #tpu.dot_dimension_numbers<[1], [0], [0], [1], [0, 0, 1, 1], [], []>, transpose_lhs_hint = false} : vector<1024x32xf32>, vector<32x32xf32>, vector<1024x32xf32> -> vector<1024x32xf32>
    %slice3A_41 = vector.extract_strided_slice %get3A_14 {offsets = [32, 0], sizes = [32, 32], strides = [1, 1]} : vector<96x32xf32> to vector<32x32xf32>
    %dot_general3A_42 = arith.constant dense<0.000000e+00> : vector<1024x32xf32>
    %dot_general3A_43 = tpu.matmul %dot_general3A_38, %slice3A_41, %dot_general3A_42 {dimension_numbers = #tpu.dot_dimension_numbers<[1], [0], [0], [1], [0, 0, 1, 1], [], []>, transpose_lhs_hint = false} : vector<1024x32xf32>, vector<32x32xf32>, vector<1024x32xf32> -> vector<1024x32xf32>
    %add3A_44 = arith.addf %dot_general3A_40, %dot_general3A_43 : vector<1024x32xf32>
    %slice3A_45 = vector.extract_strided_slice %get3A_14 {offsets = [64, 0], sizes = [32, 32], strides = [1, 1]} : vector<96x32xf32> to vector<32x32xf32>
    %dot_general3A_46 = arith.constant dense<0.000000e+00> : vector<1024x32xf32>
    %dot_general3A_47 = tpu.matmul %mul3A, %slice3A_45, %dot_general3A_46 {dimension_numbers = #tpu.dot_dimension_numbers<[1], [0], [0], [1], [0, 0, 1, 1], [], []>, transpose_lhs_hint = false} : vector<1024x32xf32>, vector<32x32xf32>, vector<1024x32xf32> -> vector<1024x32xf32>
    %add3A_48 = arith.addf %add3A_44, %dot_general3A_47 : vector<1024x32xf32>
    %get3A_49 = arith.constant 0 : index
    %get3A_50 = arith.constant 0 : index
    %get3A_51 = vector.load %arg9[%get3A_49, %get3A_50] : memref<1x32xf32, #tpu.memory_space<vmem>>, vector<1x32xf32>
    %add3A_52 = vector.broadcast %get3A_51 : vector<1x32xf32> to vector<1024x32xf32>
    %add3A_53 = arith.addf %add3A_48, %add3A_52 : vector<1024x32xf32>
    %max3A_54 = arith.constant 0.000000e+00 : f32
    %max3A_55 = vector.broadcast %max3A_54 : f32 to vector<1024x32xf32>
    %max3A_56 = arith.maximumf %add3A_53, %max3A_55 : vector<1024x32xf32>
    %get3A_57 = arith.constant 0 : index
    %get3A_58 = arith.constant 0 : index
    %get3A_59 = vector.load %arg10[%get3A_57, %get3A_58] : memref<32x32xf32, #tpu.memory_space<vmem>>, vector<32x32xf32>
    %dot_general3A_60 = arith.constant dense<0.000000e+00> : vector<1024x32xf32>
    %dot_general3A_61 = tpu.matmul %max3A_56, %get3A_59, %dot_general3A_60 {dimension_numbers = #tpu.dot_dimension_numbers<[1], [0], [0], [1], [0, 0, 1, 1], [], []>, transpose_lhs_hint = false} : vector<1024x32xf32>, vector<32x32xf32>, vector<1024x32xf32> -> vector<1024x32xf32>
    %get3A_62 = arith.constant 0 : index
    %get3A_63 = arith.constant 0 : index
    %get3A_64 = vector.load %arg11[%get3A_62, %get3A_63] : memref<1x32xf32, #tpu.memory_space<vmem>>, vector<1x32xf32>
    %add3A_65 = vector.broadcast %get3A_64 : vector<1x32xf32> to vector<1024x32xf32>
    %add3A_66 = arith.addf %dot_general3A_61, %add3A_65 : vector<1024x32xf32>
    %max3A_67 = arith.constant 0.000000e+00 : f32
    %max3A_68 = vector.broadcast %max3A_67 : f32 to vector<1024x32xf32>
    %max3A_69 = arith.maximumf %add3A_66, %max3A_68 : vector<1024x32xf32>
    %get3A_70 = arith.constant 0 : index
    %get3A_71 = arith.constant 0 : index
    %get3A_72 = vector.load %arg12[%get3A_70, %get3A_71] : memref<32x32xf32, #tpu.memory_space<vmem>>, vector<32x32xf32>
    %dot_general3A_73 = arith.constant dense<0.000000e+00> : vector<1024x32xf32>
    %dot_general3A_74 = tpu.matmul %max3A_56, %get3A_72, %dot_general3A_73 {dimension_numbers = #tpu.dot_dimension_numbers<[1], [0], [0], [1], [0, 0, 1, 1], [], []>, transpose_lhs_hint = false} : vector<1024x32xf32>, vector<32x32xf32>, vector<1024x32xf32> -> vector<1024x32xf32>
    %add3A_75 = arith.addf %max3A_69, %dot_general3A_74 : vector<1024x32xf32>
    %get3A_76 = arith.constant 0 : index
    %get3A_77 = arith.constant 0 : index
    %get3A_78 = vector.load %arg13[%get3A_76, %get3A_77] : memref<1x32xf32, #tpu.memory_space<vmem>>, vector<1x32xf32>
    %add3A_79 = vector.broadcast %get3A_78 : vector<1x32xf32> to vector<1024x32xf32>
    %add3A_80 = arith.addf %add3A_75, %add3A_79 : vector<1024x32xf32>
    %mul3A_81 = arith.constant 1024 : i32
    %mul3A_82 = arith.muli %arg0, %mul3A_81 : i32
    %iota3A_83 = tpu.iota {dimensions = array<i32: 0>} : vector<1024x1xi32>
    %add3A_84 = vector.broadcast %mul3A_82 : i32 to vector<1024x1xi32>
    %add3A_85 = arith.addi %add3A_84, %iota3A_83 : vector<1024x1xi32>
    %lt3A = arith.constant 100000 : i32
    %lt3A_86 = vector.broadcast %lt3A : i32 to vector<1024x1xi32>
    %lt3A_87 = arith.cmpi slt, %add3A_85, %lt3A_86 : vector<1024x1xi32>
    %jit3A = arith.constant 0.000000e+00 : f32
    %broadcast_in_dim3A_88 = vector.shape_cast %lt3A_87 : vector<1024x1xi1> to vector<1024x1xi1>
    %broadcast_in_dim3A_89 = vector.broadcast %broadcast_in_dim3A_88 : vector<1024x1xi1> to vector<1024x32xi1>
    %broadcast_in_dim3A_90 = vector.broadcast %jit3A : f32 to vector<1024x32xf32>
    %select_n3A = arith.select %broadcast_in_dim3A_89, %max3A_69, %broadcast_in_dim3A_90 : vector<1024x32xi1>, vector<1024x32xf32>
    %jit3A_91 = arith.constant 0.000000e+00 : f32
    %broadcast_in_dim3A_92 = vector.shape_cast %lt3A_87 : vector<1024x1xi1> to vector<1024x1xi1>
    %broadcast_in_dim3A_93 = vector.broadcast %broadcast_in_dim3A_92 : vector<1024x1xi1> to vector<1024x32xi1>
    %broadcast_in_dim3A_94 = vector.broadcast %jit3A_91 : f32 to vector<1024x32xf32>
    %select_n3A_95 = arith.select %broadcast_in_dim3A_93, %add3A_80, %broadcast_in_dim3A_94 : vector<1024x32xi1>, vector<1024x32xf32>
    %slice3A_96 = vector.extract_strided_slice %select_n3A {offsets = [0, 0], sizes = [128, 32], strides = [1, 1]} : vector<1024x32xf32> to vector<128x32xf32>
    %slice3A_97 = vector.extract_strided_slice %select_n3A_95 {offsets = [0, 0], sizes = [128, 32], strides = [1, 1]} : vector<1024x32xf32> to vector<128x32xf32>
    %slice3A_98 = vector.extract_strided_slice %slice3A_96 {offsets = [0, 0], sizes = [128, 16], strides = [1, 1]} : vector<128x32xf32> to vector<128x16xf32>
    %swap3A = arith.constant 0 : index
    %swap3A_99 = arith.constant 0 : index
    %swap3A_100 = vector.load %arg14[%swap3A, %swap3A_99] : memref<128x128xf32, #tpu.memory_space<vmem>>, vector<128x16xf32>
    tpu.vector_store %arg14[%swap3A, %swap3A_99], %slice3A_98 {strides = array<i32>} : memref<128x128xf32, #tpu.memory_space<vmem>>, vector<128x16xf32>,
    %slice3A_101 = vector.extract_strided_slice %slice3A_96 {offsets = [0, 16], sizes = [128, 16], strides = [1, 1]} : vector<128x32xf32> to vector<128x16xf32>
    %swap3A_102 = arith.constant 0 : index
    %swap3A_103 = arith.constant 0 : index
    %swap3A_104 = vector.load %arg15[%swap3A_102, %swap3A_103] : memref<128x128xf32, #tpu.memory_space<vmem>>, vector<128x16xf32>
    tpu.vector_store %arg15[%swap3A_102, %swap3A_103], %slice3A_101 {strides = array<i32>} : memref<128x128xf32, #tpu.memory_space<vmem>>, vector<128x16xf32>,
    %slice3A_105 = vector.extract_strided_slice %slice3A_97 {offsets = [0, 0], sizes = [128, 16], strides = [1, 1]} : vector<128x32xf32> to vector<128x16xf32>
    %swap3A_106 = arith.constant 0 : index
    %swap3A_107 = arith.constant 0 : index
    %swap3A_108 = vector.load %arg16[%swap3A_106, %swap3A_107] : memref<128x128xf32, #tpu.memory_space<vmem>>, vector<128x16xf32>
    tpu.vector_store %arg16[%swap3A_106, %swap3A_107], %slice3A_105 {strides = array<i32>} : memref<128x128xf32, #tpu.memory_space<vmem>>, vector<128x16xf32>,
    %slice3A_109 = vector.extract_strided_slice %slice3A_97 {offsets = [0, 16], sizes = [128, 16], strides = [1, 1]} : vector<128x32xf32> to vector<128x16xf32>
    %swap3A_110 = arith.constant 0 : index
    %swap3A_111 = arith.constant 0 : index
    %swap3A_112 = vector.load %arg17[%swap3A_110, %swap3A_111] : memref<128x128xf32, #tpu.memory_space<vmem>>, vector<128x16xf32>
    tpu.vector_store %arg17[%swap3A_110, %swap3A_111], %slice3A_109 {strides = array<i32>} : memref<128x128xf32, #tpu.memory_space<vmem>>, vector<128x16xf32>,
    %slice3A_113 = vector.extract_strided_slice %select_n3A {offsets = [128, 0], sizes = [128, 32], strides = [1, 1]} : vector<1024x32xf32> to vector<128x32xf32>
    %slice3A_114 = vector.extract_strided_slice %select_n3A_95 {offsets = [128, 0], sizes = [128, 32], strides = [1, 1]} : vector<1024x32xf32> to vector<128x32xf32>
    %slice3A_115 = vector.extract_strided_slice %slice3A_113 {offsets = [0, 0], sizes = [128, 16], strides = [1, 1]} : vector<128x32xf32> to vector<128x16xf32>
    %swap3A_116 = arith.constant 0 : index
    %swap3A_117 = arith.constant 16 : index
    %swap3A_118 = vector.load %arg14[%swap3A_116, %swap3A_117] : memref<128x128xf32, #tpu.memory_space<vmem>>, vector<128x16xf32>
    tpu.vector_store %arg14[%swap3A_116, %swap3A_117], %slice3A_115 {strides = array<i32>} : memref<128x128xf32, #tpu.memory_space<vmem>>, vector<128x16xf32>,
    %slice3A_119 = vector.extract_strided_slice %slice3A_113 {offsets = [0, 16], sizes = [128, 16], strides = [1, 1]} : vector<128x32xf32> to vector<128x16xf32>
    %swap3A_120 = arith.constant 0 : index
    %swap3A_121 = arith.constant 16 : index
    %swap3A_122 = vector.load %arg15[%swap3A_120, %swap3A_121] : memref<128x128xf32, #tpu.memory_space<vmem>>, vector<128x16xf32>
    tpu.vector_store %arg15[%swap3A_120, %swap3A_121], %slice3A_119 {strides = array<i32>} : memref<128x128xf32, #tpu.memory_space<vmem>>, vector<128x16xf32>,
    %slice3A_123 = vector.extract_strided_slice %slice3A_114 {offsets = [0, 0], sizes = [128, 16], strides = [1, 1]} : vector<128x32xf32> to vector<128x16xf32>
    %swap3A_124 = arith.constant 0 : index
    %swap3A_125 = arith.constant 16 : index
    %swap3A_126 = vector.load %arg16[%swap3A_124, %swap3A_125] : memref<128x128xf32, #tpu.memory_space<vmem>>, vector<128x16xf32>
    tpu.vector_store %arg16[%swap3A_124, %swap3A_125], %slice3A_123 {strides = array<i32>} : memref<128x128xf32, #tpu.memory_space<vmem>>, vector<128x16xf32>,
    %slice3A_127 = vector.extract_strided_slice %slice3A_114 {offsets = [0, 16], sizes = [128, 16], strides = [1, 1]} : vector<128x32xf32> to vector<128x16xf32>
    %swap3A_128 = arith.constant 0 : index
    %swap3A_129 = arith.constant 16 : index
    %swap3A_130 = vector.load %arg17[%swap3A_128, %swap3A_129] : memref<128x128xf32, #tpu.memory_space<vmem>>, vector<128x16xf32>
    tpu.vector_store %arg17[%swap3A_128, %swap3A_129], %slice3A_127 {strides = array<i32>} : memref<128x128xf32, #tpu.memory_space<vmem>>, vector<128x16xf32>,
    %slice3A_131 = vector.extract_strided_slice %select_n3A {offsets = [256, 0], sizes = [128, 32], strides = [1, 1]} : vector<1024x32xf32> to vector<128x32xf32>
    %slice3A_132 = vector.extract_strided_slice %select_n3A_95 {offsets = [256, 0], sizes = [128, 32], strides = [1, 1]} : vector<1024x32xf32> to vector<128x32xf32>
    %slice3A_133 = vector.extract_strided_slice %slice3A_131 {offsets = [0, 0], sizes = [128, 16], strides = [1, 1]} : vector<128x32xf32> to vector<128x16xf32>
    %swap3A_134 = arith.constant 0 : index
    %swap3A_135 = arith.constant 32 : index
    %swap3A_136 = vector.load %arg14[%swap3A_134, %swap3A_135] : memref<128x128xf32, #tpu.memory_space<vmem>>, vector<128x16xf32>
    tpu.vector_store %arg14[%swap3A_134, %swap3A_135], %slice3A_133 {strides = array<i32>} : memref<128x128xf32, #tpu.memory_space<vmem>>, vector<128x16xf32>,
    %slice3A_137 = vector.extract_strided_slice %slice3A_131 {offsets = [0, 16], sizes = [128, 16], strides = [1, 1]} : vector<128x32xf32> to vector<128x16xf32>
    %swap3A_138 = arith.constant 0 : index
    %swap3A_139 = arith.constant 32 : index
    %swap3A_140 = vector.load %arg15[%swap3A_138, %swap3A_139] : memref<128x128xf32, #tpu.memory_space<vmem>>, vector<128x16xf32>
    tpu.vector_store %arg15[%swap3A_138, %swap3A_139], %slice3A_137 {strides = array<i32>} : memref<128x128xf32, #tpu.memory_space<vmem>>, vector<128x16xf32>,
    %slice3A_141 = vector.extract_strided_slice %slice3A_132 {offsets = [0, 0], sizes = [128, 16], strides = [1, 1]} : vector<128x32xf32> to vector<128x16xf32>
    %swap3A_142 = arith.constant 0 : index
    %swap3A_143 = arith.constant 32 : index
    %swap3A_144 = vector.load %arg16[%swap3A_142, %swap3A_143] : memref<128x128xf32, #tpu.memory_space<vmem>>, vector<128x16xf32>
    tpu.vector_store %arg16[%swap3A_142, %swap3A_143], %slice3A_141 {strides = array<i32>} : memref<128x128xf32, #tpu.memory_space<vmem>>, vector<128x16xf32>,
    %slice3A_145 = vector.extract_strided_slice %slice3A_132 {offsets = [0, 16], sizes = [128, 16], strides = [1, 1]} : vector<128x32xf32> to vector<128x16xf32>
    %swap3A_146 = arith.constant 0 : index
    %swap3A_147 = arith.constant 32 : index
    %swap3A_148 = vector.load %arg17[%swap3A_146, %swap3A_147] : memref<128x128xf32, #tpu.memory_space<vmem>>, vector<128x16xf32>
    tpu.vector_store %arg17[%swap3A_146, %swap3A_147], %slice3A_145 {strides = array<i32>} : memref<128x128xf32, #tpu.memory_space<vmem>>, vector<128x16xf32>,
    %slice3A_149 = vector.extract_strided_slice %select_n3A {offsets = [384, 0], sizes = [128, 32], strides = [1, 1]} : vector<1024x32xf32> to vector<128x32xf32>
    %slice3A_150 = vector.extract_strided_slice %select_n3A_95 {offsets = [384, 0], sizes = [128, 32], strides = [1, 1]} : vector<1024x32xf32> to vector<128x32xf32>
    %slice3A_151 = vector.extract_strided_slice %slice3A_149 {offsets = [0, 0], sizes = [128, 16], strides = [1, 1]} : vector<128x32xf32> to vector<128x16xf32>
    %swap3A_152 = arith.constant 0 : index
    %swap3A_153 = arith.constant 48 : index
    %swap3A_154 = vector.load %arg14[%swap3A_152, %swap3A_153] : memref<128x128xf32, #tpu.memory_space<vmem>>, vector<128x16xf32>
    tpu.vector_store %arg14[%swap3A_152, %swap3A_153], %slice3A_151 {strides = array<i32>} : memref<128x128xf32, #tpu.memory_space<vmem>>, vector<128x16xf32>,
    %slice3A_155 = vector.extract_strided_slice %slice3A_149 {offsets = [0, 16], sizes = [128, 16], strides = [1, 1]} : vector<128x32xf32> to vector<128x16xf32>
    %swap3A_156 = arith.constant 0 : index
    %swap3A_157 = arith.constant 48 : index
    %swap3A_158 = vector.load %arg15[%swap3A_156, %swap3A_157] : memref<128x128xf32, #tpu.memory_space<vmem>>, vector<128x16xf32>
    tpu.vector_store %arg15[%swap3A_156, %swap3A_157], %slice3A_155 {strides = array<i32>} : memref<128x128xf32, #tpu.memory_space<vmem>>, vector<128x16xf32>,
    %slice3A_159 = vector.extract_strided_slice %slice3A_150 {offsets = [0, 0], sizes = [128, 16], strides = [1, 1]} : vector<128x32xf32> to vector<128x16xf32>
    %swap3A_160 = arith.constant 0 : index
    %swap3A_161 = arith.constant 48 : index
    %swap3A_162 = vector.load %arg16[%swap3A_160, %swap3A_161] : memref<128x128xf32, #tpu.memory_space<vmem>>, vector<128x16xf32>
    tpu.vector_store %arg16[%swap3A_160, %swap3A_161], %slice3A_159 {strides = array<i32>} : memref<128x128xf32, #tpu.memory_space<vmem>>, vector<128x16xf32>,
    %slice3A_163 = vector.extract_strided_slice %slice3A_150 {offsets = [0, 16], sizes = [128, 16], strides = [1, 1]} : vector<128x32xf32> to vector<128x16xf32>
    %swap3A_164 = arith.constant 0 : index
    %swap3A_165 = arith.constant 48 : index
    %swap3A_166 = vector.load %arg17[%swap3A_164, %swap3A_165] : memref<128x128xf32, #tpu.memory_space<vmem>>, vector<128x16xf32>
    tpu.vector_store %arg17[%swap3A_164, %swap3A_165], %slice3A_163 {strides = array<i32>} : memref<128x128xf32, #tpu.memory_space<vmem>>, vector<128x16xf32>,
    %slice3A_167 = vector.extract_strided_slice %select_n3A {offsets = [512, 0], sizes = [128, 32], strides = [1, 1]} : vector<1024x32xf32> to vector<128x32xf32>
    %slice3A_168 = vector.extract_strided_slice %select_n3A_95 {offsets = [512, 0], sizes = [128, 32], strides = [1, 1]} : vector<1024x32xf32> to vector<128x32xf32>
    %slice3A_169 = vector.extract_strided_slice %slice3A_167 {offsets = [0, 0], sizes = [128, 16], strides = [1, 1]} : vector<128x32xf32> to vector<128x16xf32>
    %swap3A_170 = arith.constant 0 : index
    %swap3A_171 = arith.constant 64 : index
    %swap3A_172 = vector.load %arg14[%swap3A_170, %swap3A_171] : memref<128x128xf32, #tpu.memory_space<vmem>>, vector<128x16xf32>
    tpu.vector_store %arg14[%swap3A_170, %swap3A_171], %slice3A_169 {strides = array<i32>} : memref<128x128xf32, #tpu.memory_space<vmem>>, vector<128x16xf32>,
    %slice3A_173 = vector.extract_strided_slice %slice3A_167 {offsets = [0, 16], sizes = [128, 16], strides = [1, 1]} : vector<128x32xf32> to vector<128x16xf32>
    %swap3A_174 = arith.constant 0 : index
    %swap3A_175 = arith.constant 64 : index
    %swap3A_176 = vector.load %arg15[%swap3A_174, %swap3A_175] : memref<128x128xf32, #tpu.memory_space<vmem>>, vector<128x16xf32>
    tpu.vector_store %arg15[%swap3A_174, %swap3A_175], %slice3A_173 {strides = array<i32>} : memref<128x128xf32, #tpu.memory_space<vmem>>, vector<128x16xf32>,
    %slice3A_177 = vector.extract_strided_slice %slice3A_168 {offsets = [0, 0], sizes = [128, 16], strides = [1, 1]} : vector<128x32xf32> to vector<128x16xf32>
    %swap3A_178 = arith.constant 0 : index
    %swap3A_179 = arith.constant 64 : index
    %swap3A_180 = vector.load %arg16[%swap3A_178, %swap3A_179] : memref<128x128xf32, #tpu.memory_space<vmem>>, vector<128x16xf32>
    tpu.vector_store %arg16[%swap3A_178, %swap3A_179], %slice3A_177 {strides = array<i32>} : memref<128x128xf32, #tpu.memory_space<vmem>>, vector<128x16xf32>,
    %slice3A_181 = vector.extract_strided_slice %slice3A_168 {offsets = [0, 16], sizes = [128, 16], strides = [1, 1]} : vector<128x32xf32> to vector<128x16xf32>
    %swap3A_182 = arith.constant 0 : index
    %swap3A_183 = arith.constant 64 : index
    %swap3A_184 = vector.load %arg17[%swap3A_182, %swap3A_183] : memref<128x128xf32, #tpu.memory_space<vmem>>, vector<128x16xf32>
    tpu.vector_store %arg17[%swap3A_182, %swap3A_183], %slice3A_181 {strides = array<i32>} : memref<128x128xf32, #tpu.memory_space<vmem>>, vector<128x16xf32>,
    %slice3A_185 = vector.extract_strided_slice %select_n3A {offsets = [640, 0], sizes = [128, 32], strides = [1, 1]} : vector<1024x32xf32> to vector<128x32xf32>
    %slice3A_186 = vector.extract_strided_slice %select_n3A_95 {offsets = [640, 0], sizes = [128, 32], strides = [1, 1]} : vector<1024x32xf32> to vector<128x32xf32>
    %slice3A_187 = vector.extract_strided_slice %slice3A_185 {offsets = [0, 0], sizes = [128, 16], strides = [1, 1]} : vector<128x32xf32> to vector<128x16xf32>
    %swap3A_188 = arith.constant 0 : index
    %swap3A_189 = arith.constant 80 : index
    %swap3A_190 = vector.load %arg14[%swap3A_188, %swap3A_189] : memref<128x128xf32, #tpu.memory_space<vmem>>, vector<128x16xf32>
    tpu.vector_store %arg14[%swap3A_188, %swap3A_189], %slice3A_187 {strides = array<i32>} : memref<128x128xf32, #tpu.memory_space<vmem>>, vector<128x16xf32>,
    %slice3A_191 = vector.extract_strided_slice %slice3A_185 {offsets = [0, 16], sizes = [128, 16], strides = [1, 1]} : vector<128x32xf32> to vector<128x16xf32>
    %swap3A_192 = arith.constant 0 : index
    %swap3A_193 = arith.constant 80 : index
    %swap3A_194 = vector.load %arg15[%swap3A_192, %swap3A_193] : memref<128x128xf32, #tpu.memory_space<vmem>>, vector<128x16xf32>
    tpu.vector_store %arg15[%swap3A_192, %swap3A_193], %slice3A_191 {strides = array<i32>} : memref<128x128xf32, #tpu.memory_space<vmem>>, vector<128x16xf32>,
    %slice3A_195 = vector.extract_strided_slice %slice3A_186 {offsets = [0, 0], sizes = [128, 16], strides = [1, 1]} : vector<128x32xf32> to vector<128x16xf32>
    %swap3A_196 = arith.constant 0 : index
    %swap3A_197 = arith.constant 80 : index
    %swap3A_198 = vector.load %arg16[%swap3A_196, %swap3A_197] : memref<128x128xf32, #tpu.memory_space<vmem>>, vector<128x16xf32>
    tpu.vector_store %arg16[%swap3A_196, %swap3A_197], %slice3A_195 {strides = array<i32>} : memref<128x128xf32, #tpu.memory_space<vmem>>, vector<128x16xf32>,
    %slice3A_199 = vector.extract_strided_slice %slice3A_186 {offsets = [0, 16], sizes = [128, 16], strides = [1, 1]} : vector<128x32xf32> to vector<128x16xf32>
    %swap3A_200 = arith.constant 0 : index
    %swap3A_201 = arith.constant 80 : index
    %swap3A_202 = vector.load %arg17[%swap3A_200, %swap3A_201] : memref<128x128xf32, #tpu.memory_space<vmem>>, vector<128x16xf32>
    tpu.vector_store %arg17[%swap3A_200, %swap3A_201], %slice3A_199 {strides = array<i32>} : memref<128x128xf32, #tpu.memory_space<vmem>>, vector<128x16xf32>,
    %slice3A_203 = vector.extract_strided_slice %select_n3A {offsets = [768, 0], sizes = [128, 32], strides = [1, 1]} : vector<1024x32xf32> to vector<128x32xf32>
    %slice3A_204 = vector.extract_strided_slice %select_n3A_95 {offsets = [768, 0], sizes = [128, 32], strides = [1, 1]} : vector<1024x32xf32> to vector<128x32xf32>
    %slice3A_205 = vector.extract_strided_slice %slice3A_203 {offsets = [0, 0], sizes = [128, 16], strides = [1, 1]} : vector<128x32xf32> to vector<128x16xf32>
    %swap3A_206 = arith.constant 0 : index
    %swap3A_207 = arith.constant 96 : index
    %swap3A_208 = vector.load %arg14[%swap3A_206, %swap3A_207] : memref<128x128xf32, #tpu.memory_space<vmem>>, vector<128x16xf32>
    tpu.vector_store %arg14[%swap3A_206, %swap3A_207], %slice3A_205 {strides = array<i32>} : memref<128x128xf32, #tpu.memory_space<vmem>>, vector<128x16xf32>,
    %slice3A_209 = vector.extract_strided_slice %slice3A_203 {offsets = [0, 16], sizes = [128, 16], strides = [1, 1]} : vector<128x32xf32> to vector<128x16xf32>
    %swap3A_210 = arith.constant 0 : index
    %swap3A_211 = arith.constant 96 : index
    %swap3A_212 = vector.load %arg15[%swap3A_210, %swap3A_211] : memref<128x128xf32, #tpu.memory_space<vmem>>, vector<128x16xf32>
    tpu.vector_store %arg15[%swap3A_210, %swap3A_211], %slice3A_209 {strides = array<i32>} : memref<128x128xf32, #tpu.memory_space<vmem>>, vector<128x16xf32>,
    %slice3A_213 = vector.extract_strided_slice %slice3A_204 {offsets = [0, 0], sizes = [128, 16], strides = [1, 1]} : vector<128x32xf32> to vector<128x16xf32>
    %swap3A_214 = arith.constant 0 : index
    %swap3A_215 = arith.constant 96 : index
    %swap3A_216 = vector.load %arg16[%swap3A_214, %swap3A_215] : memref<128x128xf32, #tpu.memory_space<vmem>>, vector<128x16xf32>
    tpu.vector_store %arg16[%swap3A_214, %swap3A_215], %slice3A_213 {strides = array<i32>} : memref<128x128xf32, #tpu.memory_space<vmem>>, vector<128x16xf32>,
    %slice3A_217 = vector.extract_strided_slice %slice3A_204 {offsets = [0, 16], sizes = [128, 16], strides = [1, 1]} : vector<128x32xf32> to vector<128x16xf32>
    %swap3A_218 = arith.constant 0 : index
    %swap3A_219 = arith.constant 96 : index
    %swap3A_220 = vector.load %arg17[%swap3A_218, %swap3A_219] : memref<128x128xf32, #tpu.memory_space<vmem>>, vector<128x16xf32>
    tpu.vector_store %arg17[%swap3A_218, %swap3A_219], %slice3A_217 {strides = array<i32>} : memref<128x128xf32, #tpu.memory_space<vmem>>, vector<128x16xf32>,
    %slice3A_221 = vector.extract_strided_slice %select_n3A {offsets = [896, 0], sizes = [128, 32], strides = [1, 1]} : vector<1024x32xf32> to vector<128x32xf32>
    %slice3A_222 = vector.extract_strided_slice %select_n3A_95 {offsets = [896, 0], sizes = [128, 32], strides = [1, 1]} : vector<1024x32xf32> to vector<128x32xf32>
    %slice3A_223 = vector.extract_strided_slice %slice3A_221 {offsets = [0, 0], sizes = [128, 16], strides = [1, 1]} : vector<128x32xf32> to vector<128x16xf32>
    %swap3A_224 = arith.constant 0 : index
    %swap3A_225 = arith.constant 112 : index
    %swap3A_226 = vector.load %arg14[%swap3A_224, %swap3A_225] : memref<128x128xf32, #tpu.memory_space<vmem>>, vector<128x16xf32>
    tpu.vector_store %arg14[%swap3A_224, %swap3A_225], %slice3A_223 {strides = array<i32>} : memref<128x128xf32, #tpu.memory_space<vmem>>, vector<128x16xf32>,
    %slice3A_227 = vector.extract_strided_slice %slice3A_221 {offsets = [0, 16], sizes = [128, 16], strides = [1, 1]} : vector<128x32xf32> to vector<128x16xf32>
    %swap3A_228 = arith.constant 0 : index
    %swap3A_229 = arith.constant 112 : index
    %swap3A_230 = vector.load %arg15[%swap3A_228, %swap3A_229] : memref<128x128xf32, #tpu.memory_space<vmem>>, vector<128x16xf32>
    tpu.vector_store %arg15[%swap3A_228, %swap3A_229], %slice3A_227 {strides = array<i32>} : memref<128x128xf32, #tpu.memory_space<vmem>>, vector<128x16xf32>,
    %slice3A_231 = vector.extract_strided_slice %slice3A_222 {offsets = [0, 0], sizes = [128, 16], strides = [1, 1]} : vector<128x32xf32> to vector<128x16xf32>
    %swap3A_232 = arith.constant 0 : index
    %swap3A_233 = arith.constant 112 : index
    %swap3A_234 = vector.load %arg16[%swap3A_232, %swap3A_233] : memref<128x128xf32, #tpu.memory_space<vmem>>, vector<128x16xf32>
    tpu.vector_store %arg16[%swap3A_232, %swap3A_233], %slice3A_231 {strides = array<i32>} : memref<128x128xf32, #tpu.memory_space<vmem>>, vector<128x16xf32>,
    %slice3A_235 = vector.extract_strided_slice %slice3A_222 {offsets = [0, 16], sizes = [128, 16], strides = [1, 1]} : vector<128x32xf32> to vector<128x16xf32>
    %swap3A_236 = arith.constant 0 : index
    %swap3A_237 = arith.constant 112 : index
    %swap3A_238 = vector.load %arg17[%swap3A_236, %swap3A_237] : memref<128x128xf32, #tpu.memory_space<vmem>>, vector<128x16xf32>
    tpu.vector_store %arg17[%swap3A_236, %swap3A_237], %slice3A_235 {strides = array<i32>} : memref<128x128xf32, #tpu.memory_space<vmem>>, vector<128x16xf32>,
    return
  }
  func.func @transform_0(%arg0: i32) -> (i32, i32) {
    %c0_i32 = arith.constant 0 : i32
    %c0_i32_0 = arith.constant 0 : i32
    return %arg0, %c0_i32 : i32, i32
  }
  func.func @transform_1(%arg0: i32) -> (i32, i32) {
    %c0_i32 = arith.constant 0 : i32
    %c0_i32_0 = arith.constant 0 : i32
    return %c0_i32, %arg0 : i32, i32
  }
  func.func @transform_2(%arg0: i32) -> (i32, i32) {
    %c0_i32 = arith.constant 0 : i32
    %c0_i32_0 = arith.constant 0 : i32
    %c0_i32_1 = arith.constant 0 : i32
    return %c0_i32, %c0_i32_0 : i32, i32
  }
  func.func @transform_3(%arg0: i32) -> (i32, i32) {
    %c0_i32 = arith.constant 0 : i32
    %c0_i32_0 = arith.constant 0 : i32
    %c0_i32_1 = arith.constant 0 : i32
    return %c0_i32, %c0_i32_0 : i32, i32
  }
  func.func @transform_4(%arg0: i32) -> (i32, i32) {
    %c0_i32 = arith.constant 0 : i32
    %c0_i32_0 = arith.constant 0 : i32
    %c0_i32_1 = arith.constant 0 : i32
    return %c0_i32, %c0_i32_0 : i32, i32
  }
  func.func @transform_5(%arg0: i32) -> (i32, i32) {
    %c0_i32 = arith.constant 0 : i32
    %c0_i32_0 = arith.constant 0 : i32
    %c0_i32_1 = arith.constant 0 : i32
    return %c0_i32, %c0_i32_0 : i32, i32
  }
  func.func @transform_6(%arg0: i32) -> (i32, i32) {
    %c0_i32 = arith.constant 0 : i32
    %c0_i32_0 = arith.constant 0 : i32
    %c0_i32_1 = arith.constant 0 : i32
    return %c0_i32, %c0_i32_0 : i32, i32
  }
  func.func @transform_7(%arg0: i32) -> (i32, i32) {
    %c0_i32 = arith.constant 0 : i32
    %c0_i32_0 = arith.constant 0 : i32
    %c0_i32_1 = arith.constant 0 : i32
    return %c0_i32, %c0_i32_0 : i32, i32
  }
  func.func @transform_8(%arg0: i32) -> (i32, i32) {
    %c0_i32 = arith.constant 0 : i32
    %c0_i32_0 = arith.constant 0 : i32
    %c0_i32_1 = arith.constant 0 : i32
    return %c0_i32, %c0_i32_0 : i32, i32
  }
  func.func @transform_9(%arg0: i32) -> (i32, i32) {
    %c0_i32 = arith.constant 0 : i32
    %c0_i32_0 = arith.constant 0 : i32
    %c0_i32_1 = arith.constant 0 : i32
    return %c0_i32, %c0_i32_0 : i32, i32
  }
  func.func @transform_10(%arg0: i32) -> (i32, i32) {
    %c0_i32 = arith.constant 0 : i32
    %c0_i32_0 = arith.constant 0 : i32
    %c0_i32_1 = arith.constant 0 : i32
    return %c0_i32, %c0_i32_0 : i32, i32
  }
  func.func @transform_11(%arg0: i32) -> (i32, i32) {
    %c0_i32 = arith.constant 0 : i32
    %c0_i32_0 = arith.constant 0 : i32
    %c0_i32_1 = arith.constant 0 : i32
    return %c0_i32, %c0_i32_0 : i32, i32
  }
  func.func @transform_12(%arg0: i32) -> (i32, i32) {
    %c0_i32 = arith.constant 0 : i32
    %c0_i32_0 = arith.constant 0 : i32
    %c0_i32_1 = arith.constant 0 : i32
    return %c0_i32, %c0_i32_0 : i32, i32
  }
  func.func @transform_13(%arg0: i32) -> (i32, i32) {
    %c0_i32 = arith.constant 0 : i32
    %c0_i32_0 = arith.constant 0 : i32
    return %arg0, %c0_i32 : i32, i32
  }
  func.func @transform_14(%arg0: i32) -> (i32, i32) {
    %c0_i32 = arith.constant 0 : i32
    %c0_i32_0 = arith.constant 0 : i32
    return %arg0, %c0_i32 : i32, i32
  }
  func.func @transform_15(%arg0: i32) -> (i32, i32) {
    %c0_i32 = arith.constant 0 : i32
    %c0_i32_0 = arith.constant 0 : i32
    return %arg0, %c0_i32 : i32, i32
  }
  func.func @transform_16(%arg0: i32) -> (i32, i32) {
    %c0_i32 = arith.constant 0 : i32
    %c0_i32_0 = arith.constant 0 : i32
    return %arg0, %c0_i32 : i32, i32
  }
}

module attributes {stable_mosaic.version = 14 : i64} {
  func.func @_head_body(%arg0: i32, %arg1: memref<128x128xf32, #tpu.memory_space<vmem>>, %arg2: memref<128x128xf32, #tpu.memory_space<vmem>>, %arg3: memref<128x16xf32, #tpu.memory_space<vmem>>, %arg4: memref<128x16xf32, #tpu.memory_space<vmem>>, %arg5: memref<1x16xf32, #tpu.memory_space<vmem>>, %arg6: memref<1024x2xf32, #tpu.memory_space<vmem>>) attributes {dimension_semantics = [#tpu.dimension_semantics<arbitrary>], iteration_bounds = array<i64: 98>, scalar_prefetch = 0 : i64, scratch_operands = 0 : i64, tpu.core_type = #tpu.core_type<tc>, window_params = [{transform_indices = @transform_0, window_bounds = array<i64: 128, 128>}, {transform_indices = @transform_1, window_bounds = array<i64: 128, 128>}, {pipeline_mode = #tpu.pipeline_mode<synchronous>, transform_indices = @transform_2, window_bounds = array<i64: 128, 16>}, {pipeline_mode = #tpu.pipeline_mode<synchronous>, transform_indices = @transform_3, window_bounds = array<i64: 128, 16>}, {pipeline_mode = #tpu.pipeline_mode<synchronous>, transform_indices = @transform_4, window_bounds = array<i64: 1, 16>}, {transform_indices = @transform_5, window_bounds = array<i64: 1024, 2>}]} {
    %get3A = arith.constant 0 : index
    %get3A_0 = arith.constant 0 : index
    %get3A_1 = vector.load %arg1[%get3A, %get3A_0] : memref<128x128xf32, #tpu.memory_space<vmem>>, vector<128x128xf32>
    %max3A = arith.constant 0.000000e+00 : f32
    %max3A_2 = vector.broadcast %max3A : f32 to vector<128x128xf32>
    %max3A_3 = arith.maximumf %get3A_1, %max3A_2 : vector<128x128xf32>
    %get3A_4 = arith.constant 0 : index
    %get3A_5 = arith.constant 0 : index
    %get3A_6 = vector.load %arg3[%get3A_4, %get3A_5] : memref<128x16xf32, #tpu.memory_space<vmem>>, vector<128x16xf32>
    %dot_general3A = arith.constant dense<0.000000e+00> : vector<128x16xf32>
    %dot_general3A_7 = tpu.matmul %max3A_3, %get3A_6, %dot_general3A {dimension_numbers = #tpu.dot_dimension_numbers<[1], [0], [0], [1], [0, 0, 1, 1], [], []>, transpose_lhs_hint = false} : vector<128x128xf32>, vector<128x16xf32>, vector<128x16xf32> -> vector<128x16xf32>
    %get3A_8 = arith.constant 0 : index
    %get3A_9 = arith.constant 0 : index
    %get3A_10 = vector.load %arg2[%get3A_8, %get3A_9] : memref<128x128xf32, #tpu.memory_space<vmem>>, vector<128x128xf32>
    %max3A_11 = arith.constant 0.000000e+00 : f32
    %max3A_12 = vector.broadcast %max3A_11 : f32 to vector<128x128xf32>
    %max3A_13 = arith.maximumf %get3A_10, %max3A_12 : vector<128x128xf32>
    %get3A_14 = arith.constant 0 : index
    %get3A_15 = arith.constant 0 : index
    %get3A_16 = vector.load %arg4[%get3A_14, %get3A_15] : memref<128x16xf32, #tpu.memory_space<vmem>>, vector<128x16xf32>
    %dot_general3A_17 = arith.constant dense<0.000000e+00> : vector<128x16xf32>
    %dot_general3A_18 = tpu.matmul %max3A_13, %get3A_16, %dot_general3A_17 {dimension_numbers = #tpu.dot_dimension_numbers<[1], [0], [0], [1], [0, 0, 1, 1], [], []>, transpose_lhs_hint = false} : vector<128x128xf32>, vector<128x16xf32>, vector<128x16xf32> -> vector<128x16xf32>
    %add3A = arith.addf %dot_general3A_7, %dot_general3A_18 : vector<128x16xf32>
    %get3A_19 = arith.constant 0 : index
    %get3A_20 = arith.constant 0 : index
    %get3A_21 = vector.load %arg5[%get3A_19, %get3A_20] : memref<1x16xf32, #tpu.memory_space<vmem>>, vector<1x16xf32>
    %add3A_22 = vector.broadcast %get3A_21 : vector<1x16xf32> to vector<128x16xf32>
    %add3A_23 = arith.addf %add3A, %add3A_22 : vector<128x16xf32>
    %slice3A = vector.extract_strided_slice %add3A_23 {offsets = [0, 0], sizes = [128, 2], strides = [1, 1]} : vector<128x16xf32> to vector<128x2xf32>
    %swap3A = arith.constant 0 : index
    %swap3A_24 = arith.constant 0 : index
    %swap3A_25 = vector.load %arg6[%swap3A, %swap3A_24] : memref<1024x2xf32, #tpu.memory_space<vmem>>, vector<128x2xf32>
    tpu.vector_store %arg6[%swap3A, %swap3A_24], %slice3A {strides = array<i32>} : memref<1024x2xf32, #tpu.memory_space<vmem>>, vector<128x2xf32>,
    %slice3A_26 = vector.extract_strided_slice %add3A_23 {offsets = [0, 2], sizes = [128, 2], strides = [1, 1]} : vector<128x16xf32> to vector<128x2xf32>
    %swap3A_27 = arith.constant 128 : index
    %swap3A_28 = arith.constant 0 : index
    %swap3A_29 = vector.load %arg6[%swap3A_27, %swap3A_28] : memref<1024x2xf32, #tpu.memory_space<vmem>>, vector<128x2xf32>
    tpu.vector_store %arg6[%swap3A_27, %swap3A_28], %slice3A_26 {strides = array<i32>} : memref<1024x2xf32, #tpu.memory_space<vmem>>, vector<128x2xf32>,
    %slice3A_30 = vector.extract_strided_slice %add3A_23 {offsets = [0, 4], sizes = [128, 2], strides = [1, 1]} : vector<128x16xf32> to vector<128x2xf32>
    %swap3A_31 = arith.constant 256 : index
    %swap3A_32 = arith.constant 0 : index
    %swap3A_33 = vector.load %arg6[%swap3A_31, %swap3A_32] : memref<1024x2xf32, #tpu.memory_space<vmem>>, vector<128x2xf32>
    tpu.vector_store %arg6[%swap3A_31, %swap3A_32], %slice3A_30 {strides = array<i32>} : memref<1024x2xf32, #tpu.memory_space<vmem>>, vector<128x2xf32>,
    %slice3A_34 = vector.extract_strided_slice %add3A_23 {offsets = [0, 6], sizes = [128, 2], strides = [1, 1]} : vector<128x16xf32> to vector<128x2xf32>
    %swap3A_35 = arith.constant 384 : index
    %swap3A_36 = arith.constant 0 : index
    %swap3A_37 = vector.load %arg6[%swap3A_35, %swap3A_36] : memref<1024x2xf32, #tpu.memory_space<vmem>>, vector<128x2xf32>
    tpu.vector_store %arg6[%swap3A_35, %swap3A_36], %slice3A_34 {strides = array<i32>} : memref<1024x2xf32, #tpu.memory_space<vmem>>, vector<128x2xf32>,
    %slice3A_38 = vector.extract_strided_slice %add3A_23 {offsets = [0, 8], sizes = [128, 2], strides = [1, 1]} : vector<128x16xf32> to vector<128x2xf32>
    %swap3A_39 = arith.constant 512 : index
    %swap3A_40 = arith.constant 0 : index
    %swap3A_41 = vector.load %arg6[%swap3A_39, %swap3A_40] : memref<1024x2xf32, #tpu.memory_space<vmem>>, vector<128x2xf32>
    tpu.vector_store %arg6[%swap3A_39, %swap3A_40], %slice3A_38 {strides = array<i32>} : memref<1024x2xf32, #tpu.memory_space<vmem>>, vector<128x2xf32>,
    %slice3A_42 = vector.extract_strided_slice %add3A_23 {offsets = [0, 10], sizes = [128, 2], strides = [1, 1]} : vector<128x16xf32> to vector<128x2xf32>
    %swap3A_43 = arith.constant 640 : index
    %swap3A_44 = arith.constant 0 : index
    %swap3A_45 = vector.load %arg6[%swap3A_43, %swap3A_44] : memref<1024x2xf32, #tpu.memory_space<vmem>>, vector<128x2xf32>
    tpu.vector_store %arg6[%swap3A_43, %swap3A_44], %slice3A_42 {strides = array<i32>} : memref<1024x2xf32, #tpu.memory_space<vmem>>, vector<128x2xf32>,
    %slice3A_46 = vector.extract_strided_slice %add3A_23 {offsets = [0, 12], sizes = [128, 2], strides = [1, 1]} : vector<128x16xf32> to vector<128x2xf32>
    %swap3A_47 = arith.constant 768 : index
    %swap3A_48 = arith.constant 0 : index
    %swap3A_49 = vector.load %arg6[%swap3A_47, %swap3A_48] : memref<1024x2xf32, #tpu.memory_space<vmem>>, vector<128x2xf32>
    tpu.vector_store %arg6[%swap3A_47, %swap3A_48], %slice3A_46 {strides = array<i32>} : memref<1024x2xf32, #tpu.memory_space<vmem>>, vector<128x2xf32>,
    %slice3A_50 = vector.extract_strided_slice %add3A_23 {offsets = [0, 14], sizes = [128, 2], strides = [1, 1]} : vector<128x16xf32> to vector<128x2xf32>
    %swap3A_51 = arith.constant 896 : index
    %swap3A_52 = arith.constant 0 : index
    %swap3A_53 = vector.load %arg6[%swap3A_51, %swap3A_52] : memref<1024x2xf32, #tpu.memory_space<vmem>>, vector<128x2xf32>
    tpu.vector_store %arg6[%swap3A_51, %swap3A_52], %slice3A_50 {strides = array<i32>} : memref<1024x2xf32, #tpu.memory_space<vmem>>, vector<128x2xf32>,
    return
  }
  func.func @transform_0(%arg0: i32) -> (i32, i32) {
    %c0_i32 = arith.constant 0 : i32
    %c0_i32_0 = arith.constant 0 : i32
    return %arg0, %c0_i32 : i32, i32
  }
  func.func @transform_1(%arg0: i32) -> (i32, i32) {
    %c0_i32 = arith.constant 0 : i32
    %c0_i32_0 = arith.constant 0 : i32
    return %arg0, %c0_i32 : i32, i32
  }
  func.func @transform_2(%arg0: i32) -> (i32, i32) {
    %c0_i32 = arith.constant 0 : i32
    %c0_i32_0 = arith.constant 0 : i32
    %c0_i32_1 = arith.constant 0 : i32
    return %c0_i32, %c0_i32_0 : i32, i32
  }
  func.func @transform_3(%arg0: i32) -> (i32, i32) {
    %c0_i32 = arith.constant 0 : i32
    %c0_i32_0 = arith.constant 0 : i32
    %c0_i32_1 = arith.constant 0 : i32
    return %c0_i32, %c0_i32_0 : i32, i32
  }
  func.func @transform_4(%arg0: i32) -> (i32, i32) {
    %c0_i32 = arith.constant 0 : i32
    %c0_i32_0 = arith.constant 0 : i32
    %c0_i32_1 = arith.constant 0 : i32
    return %c0_i32, %c0_i32_0 : i32, i32
  }
  func.func @transform_5(%arg0: i32) -> (i32, i32) {
    %c0_i32 = arith.constant 0 : i32
    %c0_i32_0 = arith.constant 0 : i32
    return %arg0, %c0_i32 : i32, i32
  }
}

</mosaic_0001>

<sc_bundles>
// kernel: kernel.5.cloned.1.call-start
scs
__scs_entry_jumppad:
0x0: {  	(pc) =	sbr.rel $0x88, $3  }
0x1: {  	(tag) =	ssettag $0x0;
	lr =	simm.s32 $0x1  }
0x2: {  	[smem:$0x3F91] =	sst lr;
	_ =	strace $0xD0000000  }
0x3: {  	_ = 	snop  }
0x4: {  	_ = 	snop  }
0x5: {  	_ = 	snop  }
0x6: {  	_ = 	snop  }
0x7: {  	_ = 	snop  }
__scs_overlays_trampoline_lowered:
0x8: {  	[smem:$0x3FA0] =	sst s0  }
0x9: {  	[smem:$0x3FA1] =	sst s1  }
0xa: {  	[smem:$0x3FA2] =	sst s2  }
0xb: {  	[smem:$0x3FA3] =	sst s3  }
0xc: {  	[smem:$0x3FA4] =	sst s4  }
0xd: {  	[smem:$0x3FA5] =	sst s5  }
0xe: {  	[smem:$0x3FA6] =	sst s6  }
0xf: {  	[smem:$0x3FA7] =	sst s7  }
0x10: {  	[smem:$0x3FA8] =	sst s8  }
0x11: {  	[smem:$0x3FA9] =	sst s9;
	s0 =	simm.s32 @!p0 $0x0  }
0x12: {  	s1 =	sld [smem:$0x3F8F];
	s0 =	simm.s32 @p0 $0x1  }
0x13: {  	[smem:$0x3FAA] =	sst s0;
	s0 =	simm.s32 @!p1 $0x0  }
0x14: {  	s2 =	sld [smem:$0x3F8E];
	s0 =	simm.s32 @p1 $0x1  }
0x15: {  	[smem:$0x3FAB] =	sst s0;
	s0 =	simm.s32 @!p2 $0x0  }
0x16: {  	s3 =	sld [smem:$0x3FDB];
	s0 =	simm.s32 @p2 $0x1  }
0x17: {  	s4 =	simm.s32 $0x1BF5;
	[smem:$0x3FAD] =	sst s0  }
0x18: {  	s0 =	sld [smem:$0x3F90];
	_ =	swait.ge [sflag:s4], $0x0  }
0x19: {  	s7 =	sld [smem:$0x3F91]  }
0x1a: {  	s8 =	sadd.s32 $0xFFFFE003, lr  }
0x1b: {  	s9 =	sadd.s32 $0xFFFFFEF7, lr;
	s5 =	simm.s32 $0xFFFFFFFF;
	p2 =	slt.u32 s8, $0xFFFFF086  }
0x1c: {  	p1 =	slt.u32 s9, $0xF7A;
	s5 =	simm.s32 @!p2 $0x0  }
0x1d: {  	s5 =	simm.s32 @p1 $0x1;
	p0 =	seq.s32 s7, s2  }
0x1e: {  	s7 =	smul.u32 @!p0 $0xF7A, s2;
	p2 =	seq.s32 @!p0 s5, $0x0  }
0x1f: {  	s9 =	smul.u32 $0xF7A, s1;
	s8 =	simm.s32 @!p0 $0x1BF5;
	p2 =	por !p2, p0  }
0x20: {  	[sflag:s8] =	ssyncset.s32 @!p0 $0xFFFFF086;
	s6 =	sadd.s32 @!p0 s3, s7;
	s7 =	simm.s32 @!p0 $0x108  }
0x21: {  	s3 =	sadd.s32 s3, s9;
	s6 =	sadd.s32 @!p0 $0x88, s6;
	s7 =	simm.s32 @p2 $0x1082  }
0x22: {  	[simem:s7], [sflag:s8] =	dma.local @!p0 [hbm:s6], $0xF7A  }
0x23: {  	s9 =	sor.u32 $0xD0000000, s2;
	s6 =	simm.s32 $0x108;
	_ =	swait.ge @!p0 [sflag:s8], $0x0  }
0x24: {  	s3 =	sadd.s32 $0x88, s3;
	s6 =	simm.s32 @!p1 $0x1082;
	[sflag:s4] =	ssyncset.s32 $0xFFFFF086  }
0x25: {  	[simem:s6], [sflag:s4] =	dma.local [hbm:s3], $0xF7A  }
0x26: {  	[smem:$0x3F91] =	sst s1;
	(tag) =	ssettag s2;
	_ =	strace s9  }
0x27: {  	s1 =	sld [smem:$0x3FA1]  }
0x28: {  	s2 =	sld [smem:$0x3FA2]  }
0x29: {  	s4 =	sld [smem:$0x3FA4]  }
0x2a: {  	p0 =	seq.s32 s5, $0x0;
	s5 =	sld [smem:$0x3FA5]  }
0x2b: {  	s6 =	sld [smem:$0x3FA6]  }
0x2c: {  	s7 =	sld [smem:$0x3FA7]  }
0x2d: {  	s3 =	simm.s32 $0x108;
	s8 =	sld [smem:$0x3FA8]  }
0x2e: {  	s3 =	simm.s32 @!p0 $0x1082;
	s9 =	sld [smem:$0x3FA9]  }
0x2f: {  	lr =	sadd.s32 s0, s3;
	s0 =	sld [smem:$0x3FA0]  }
0x30: {  	s3 =	sld [smem:$0x3FA3]  }
0x31: {  	[smem:$0x3FAC] =	sst s10  }
0x32: {  	s10 =	sld [smem:$0x3FAA];
	_ =	sdelay $0x3  }
0x33: {  	p0 =	seq.s32 s10, $0x1;
	s10 =	sld [smem:$0x3FAC];
	_ =	sdelay $0x3  }
0x34: {  	[smem:$0x3FAC] =	sst s10  }
0x35: {  	s10 =	sld [smem:$0x3FAB];
	_ =	sdelay $0x3  }
0x36: {  	p1 =	seq.s32 s10, $0x1;
	s10 =	sld [smem:$0x3FAC];
	_ =	sdelay $0x3  }
0x37: {  	[smem:$0x3FAC] =	sst s10  }
0x38: {  	s10 =	sld [smem:$0x3FAD]  }
0x39: {  	_ = 	snop;
	(pc) =	sbr.ind lr, $3  }
0x3a: {  	_ = 	snop  }
0x3b: {  	_ = 	snop  }
0x3c: {  	p2 =	seq.s32 s10, $0x1;
	s10 =	sld [smem:$0x3FAC]  }
0x3d: {  	_ =	shalt  }
0x3e: {  	_ =	shalt  }
0x3f: {  	_ =	shalt  }
0x40: {  	_ =	shalt  }
0x41: {  	_ =	shalt  }
0x42: {  	_ =	shalt  }
0x43: {  	_ =	shalt  }
0x44: {  	_ =	shalt  }
0x45: {  	_ =	shalt  }
0x46: {  	_ =	shalt  }
0x47: {  	_ =	shalt  }
0x48: {  	_ =	shalt  }
0x49: {  	_ =	shalt  }
0x4a: {  	_ =	shalt  }
0x4b: {  	_ =	shalt  }
0x4c: {  	_ =	shalt  }
0x4d: {  	_ =	shalt  }
0x4e: {  	_ =	shalt  }
0x4f: {  	_ =	shalt  }
0x50: {  	_ =	shalt  }
0x51: {  	_ =	shalt  }
0x52: {  	_ =	shalt  }
0x53: {  	_ =	shalt  }
0x54: {  	_ =	shalt  }
0x55: {  	_ =	shalt  }
0x56: {  	_ =	shalt  }
0x57: {  	_ =	shalt  }
0x58: {  	_ =	shalt  }
0x59: {  	_ =	shalt  }
0x5a: {  	_ =	shalt  }
0x5b: {  	_ =	shalt  }
0x5c: {  	_ =	shalt  }
0x5d: {  	_ =	shalt  }
0x5e: {  	_ =	shalt  }
0x5f: {  	_ =	shalt  }
0x60: {  	_ =	shalt  }
0x61: {  	_ =	shalt  }
0x62: {  	_ =	shalt  }
0x63: {  	_ =	shalt  }
0x64: {  	_ =	shalt  }
0x65: {  	_ =	shalt  }
0x66: {  	_ =	shalt  }
0x67: {  	_ =	shalt  }
0x68: {  	_ =	shalt  }
0x69: {  	_ =	shalt  }
0x6a: {  	_ =	shalt  }
0x6b: {  	_ =	shalt  }
0x6c: {  	_ =	shalt  }
0x6d: {  	_ =	shalt  }
0x6e: {  	_ =	shalt  }
0x6f: {  	_ =	shalt  }
0x70: {  	_ =	shalt  }
0x71: {  	_ =	shalt  }
0x72: {  	_ =	shalt  }
0x73: {  	_ =	shalt  }
0x74: {  	_ =	shalt  }
0x75: {  	_ =	shalt  }
0x76: {  	_ =	shalt  }
0x77: {  	_ =	shalt  }
0x78: {  	_ =	shalt  }
0x79: {  	_ =	shalt  }
0x7a: {  	_ =	shalt  }
0x7b: {  	_ =	shalt  }
0x7c: {  	_ =	shalt  }
0x7d: {  	_ =	shalt  }
0x7e: {  	_ =	shalt  }
0x7f: {  	_ =	shalt  }
0x80: {  	_ =	shalt  }
0x81: {  	_ =	shalt  }
0x82: {  	_ =	shalt  }
0x83: {  	_ =	shalt  }
0x84: {  	_ =	shalt  }
0x85: {  	_ =	shalt  }
0x86: {  	_ =	shalt  }
0x87: {  	_ =	shalt  }
.Lfunc_end0:
.L_simem_size_0:
called_computation_lowered:
.L_overlay_start_0:
0x88: {  	s2 =	sld [smem:$0x3FD9]  }
0x89: {  	s3 =	sld [smem:$0x3FFE];
	_ =	sdelay $0x1  }
0x8a: {  	s1 =	srdreg.scid  }
0x8b: {  	s0 =	sand.u32 $0x1, s1  }
0x8c: {  	s16 =	sshll.u32 s0, $0xA;
	s2 =	sadd.s32 s3, s2  }
0x8d: {  	s2 =	sadd.s32 s2, s16  }
0x8e: {  	[smem:$0x3FB8] =	sst s2  }
0x8f: {  	_ = 	snop  }
0x90: {  	(tm) =	ssettm $0x1  }
0x91: {  	s17 =	sld [smem:$0x3FFB];
	_ =	sdelay $0x3  }
0x92: {  	_ =	strace s17  }
0x93: {  	s2 =	sld [smem:$0x3FFC];
	_ =	sdelay $0x3  }
0x94: {  	_ =	strace s2  }
0x95: {  	s2 =	sld [smem:$0x3FFD];
	_ =	sdelay $0x3  }
0x96: {  	_ =	strace s2  }
0x97: {  	_ =	strace $0x8FFFFFFF  }
0x98: {  	s18 =	sld [smem:$0x3FDB];
	_ =	sdelay $0x1  }
0x99: {  	s19 =	simm.s32 $_scs_section_size  }
0x9a: {  	s4 =	simm.s32 $_size__tile_overlayer_lowered;
	s5 =	simm.s32 $_tile_overlayer_lowered  }
0x9b: {  	s22 =	simm.s32 $0x1BFF;
	s21 =	sshll.u32 s5, $0x1;
	s2 =	sadd.s32 s19, s18  }
0x9c: {  	s6 =	simm.s32 $0x0;
	s20 =	sshll.u32 s4, $0x1;
	s4 =	sadd.s32 s21, s2  }
0x9d: {  	[timem:s6], [sflag:s22] =	dma.local [hbm:s4], s20  }
0x9e: {  	_ =	swait.ge [sflag:s22], s20  }
0x9f: {  	s3 =	ssub.s32 $0x0, s20;
	[sflag:s22] =	ssyncset.done $0x0  }
0xa0: {  	[sflag:s22] =	ssyncadd.s32 s3;
	_ =	sdelay $0x1  }
0xa1: {  	s23 =	simm.s32 $0x1B8B  }
0xa2: {  	_ =	swait.ge [sflag:s23], $0x1  }
0xa3: {  	[sflag:s23] =	ssyncset.done $0x0  }
0xa4: {  	s25 =	simm.s32 $0x1B8E;
	s24 =	sld [smem:$0x3FFE];
	[sflag:s23] =	ssyncadd.s32 $0xFFFFFFFF  }
0xa5: {  	s26 =	simm.s32 $execute0_lowered;
	[smem:$0x3FD2] =	sst s25  }
0xa6: {  	s4 =	sshll.u32 s26, $0x1;
	_ =	strace $0x80000046;
	[dreg:$0x1] =	wrdreg $0xFFFFFFFF  }
0xa7: {  	s28 =	simm.s32 $_size_execute0_lowered;
	s2 =	sadd.s32 s2, s4;
	[dreg:$0x0] =	wrdreg $0x0  }
0xa8: {  	s4 =	sshll.u32 s28, $0x1;
	[dreg:$0x2] =	wrdreg s2  }
0xa9: {  	[dreg:$0x3] =	wrdreg s4  }
0xaa: {  	[dreg:$0x4] =	wrdreg $0xC0  }
0xab: {  	_ =	task [dreg:s6], $0x5FFFF  }
0xac: {  	[dreg:$0x1] =	wrdreg $0xFFFFFFFF  }
0xad: {  	[dreg:$0x0] =	wrdreg $0x60  }
0xae: {  	[dreg:$0x2] =	wrdreg s24  }
0xaf: {  	[dreg:$0x3] =	wrdreg $0x61000  }
0xb0: {  	[dreg:$0x4] =	wrdreg $0x9  }
0xb1: {  	_ =	task.clear_ibuf [dreg:s6], $0x5FFFF;
	_ =	strace $0x90000046  }
0xb2: {  	s29 =	simm.s32 $0x9;
	_ =	strace $0x80000048  }
0xb3: {  	_ =	swait.ge [sflag:s29], $0x1  }
0xb4: {  	[sflag:s29] =	ssyncadd.s32 $0xFFFFFFFF  }
0xb5: {  	_ =	strace $0x90000048  }
0xb6: {  	_ =	sfence  }
0xb7: {  	s30 =	sld [smem:$0x0];
	_ =	sdelay $0x2  }
0xb8: {  	s31 =	sshll.u32 s1, $0xD;
	s1 =	sshrl.u32 s1, $0x2  }
0xb9: {  	s3 =	sand.u32 $0x4000, s31;
	s1 =	sadd.s32 s1, s30  }
0xba: {  	s0 =	sor.u32 s3, s0;
	s1 =	sshll.u32 s1, $0x11  }
0xbb: {  	s0 =	sor.u32 s1, s0  }
0xbc: {  	s0 =	sadd.s32 $0x8F2B, s0  }
0xbd: {  	[sflag:s0] =	ssyncadd.remote.s32 $0x1  }
0xbe: {  	_ =	sfence.sel $0xFFFF  }
0xbf: {  	[dreg:$0x0] =	wrdreg $0xFFFFFFFF;
	(pc) =	sbr.abs _section_cstart, $3  }
0xc0: {  	[dreg:$0x1] =	wrdreg $0xFFFFFFFF  }
0xc1: {  	_ =	task.clear_ibuf [dreg:s6], $0x2FFFF;
	_ =	strace $0x9FFFFFFF  }
0xc2: {  	(tm) =	ssettm $0x7FFFFFFF  }
0xc3: {  	_ =	shalt  }
tec
execute0_lowered:
.L_overlay_start_1:
0x0: {  	(tag) =	ssettag $0x1  }
0x1: {  	s0 =	rddreg [dreg:$0x0]  }
0x2: {  	s1 =	rddreg [dreg:$0x1];
	s2 =	simm.s32 $0x0;
	s3 =	srdreg.scid  }
0x3: {  	s13 =	simm.s32 $0x11;
	s15 =	simm.s32 $0x50;
	s19 =	simm.s32 $0x2300  }
0x4: {  	s21 =	simm.s32 $0x2800;
	s30 =	simm.s32 $0x3;
	s10 =	simm.s32 $0x9  }
0x5: {  	s18 =	simm.s32 $0xA;
	s20 =	simm.s32 $0xB;
	s28 =	simm.s32 $0xF  }
0x6: {  	s29 =	simm.s32 $0x10;
	[smem:$0x7FF] =	sst s2;
	s4 =	sand.u32 $0x1, s3  }
0x7: {  	s22 =	sadd.s32 $0x2C00, s0;
	s5 =	sadd.s32 $0x95800, s0;
	s3 =	stileid.u32  }
0x8: {  	s6 =	sadd.s32 $0xC6800, s0;
	_ =	strace $0x80000047;
	[dreg:$0x3] =	wrdreg s22  }
0x9: {  	s7 =	ssub.s32 $0x2, s4;
	s9 =	sshll.u32 s3, $0xA;
	p0 =	seq.s32 s4, $0x1  }
0xa: {  	s25 =	sshll.u32 s3, $0xD;
	s22 =	simm.s32 $0x1;
	s4 =	simm.s32 $0x0  }
0xb: {  	s8 =	sshrl.u32 s7, $0x1;
	s0 =	sadd.s32 s9, s0;
	s16 =	sadd.s32 s25, s1  }
0xc: {  	s25 =	simm.s32 $0x2;
	s24 =	sadd.s32 $0xF7800, s0;
	[dreg:$0x7] =	wrdreg s16  }
.Ltmp0:
0xd: {  	s26 =	sadd.s32 $0x128800, s0;
	[dreg:$0x5] =	wrdreg s24;
	(pc) =	sbr.rel .LBB2_1-.Ltmp0, $4  }
0xe: {  	s7 =	ssub.s32 s7, s8;
	s31 =	sadd.s32 $0x64800, s0;
	[dreg:$0x6] =	wrdreg s26  }
0xf: {  	s0 =	sadd.s32 $0x159800, s0;
	s8 =	simm.s32 $0x4;
	[dreg:$0x8] =	wrdreg s31  }
0x10: {  	s23 =	smax.u32 s7, $0x1;
	[dreg:$0x9] =	wrdreg s0;
	s24 =	simm.s32 $0xD  }
0x11: {  	s26 =	simm.s32 $0xE;
	[dreg:$0x4] =	wrdreg s23;
	s23 =	simm.s32 $0xC  }
.LBB2_24:
0x12: {  	s4 =	sadd.s32 $0x1, s4;
	s0 =	rddreg [dreg:$0x4]  }
0x13: {  	p1 =	sne.s32 s4, s0  }
.Ltmp1:
0x14: {  	_ = 	snop;
	(pc) =	sbr.rel @!p1 .LBB2_25-.Ltmp1, $1  }
0x15: {  	_ =	sdelay $0x3  }
.LBB2_1:
.Ltmp2:
0x16: {  	(pc) =	sbr.rel @!p0 .LBB2_2-.Ltmp2, $3  }
0x17: {  	_ =	sdelay $0x1  }
0x18: {  	s0 =	sadd.s32 $0x0, s3  }
0x19: {  	[dreg:$0xa] =	wrdreg s4;
	p1 =	sgt.u32 s0, $0xC3  }
0x1a: {  	s0 =	simm.s32 @!p1 $0x0  }
0x1b: {  	s4 =	simm.s32 @!p1 $0x4100;
	s9 =	simm.s32 @!p1 $0x12;
	s11 =	rddreg [dreg:$0x8]  }
0x1c: {  	[tilespmem:s4], [sflag:$0x12] =	stream.linear.gather @!p1 [hbm4b:s11+s0], $0x2000, $0x38;
	[tilespmem:$0x1E900] =	vst v63  }
0x1d: {  	_ =	swait.ge @!p1 [sflag:s9], $0x2000  }
0x1e: {  	[sflag:s9] =	ssyncset.done @!p1 $0x0;
	p1 =	por p1, p1  }
0x1f: {  	s7 =	simm.s32 $0x20;
	[sflag:s9] =	ssyncadd.s32 @!p1 $0xFFFFE000  }
0x20: {  	[spmem:s16] =	stream.linear.scatter @!p1 [tilespmem:s4], [sflag:$0x11], $0x2000, $0x38;
	[tilespmem:$0x1E900] =	vst v63  }
0x21: {  	s31 =	sadd.s32 $0x10, s3;
	s0 =	sadd.s32 $0x20000, s16;
	s4 =	simm.s32 @!p1 $0x11  }
0x22: {  	p2 =	sgt.u32 s31, $0xC3;
	s9 =	sadd.s32 $0x4000, s11;
	_ =	swait.ge @!p1 [sflag:s4], $0x2000  }
.LBB2_14:
0x23: {  	s11 =	simm.s32 @!p2 $0x0;
	s12 =	simm.s32 @!p2 $0x4100;
	[sflag:s4] =	ssyncset.done @!p1 $0x0  }
0x24: {  	s14 =	smov.u32 s7;
	s16 =	smov.u32 s0;
	s7 =	sadd.s32 $0x10, s7  }
0x25: {  	s17 =	simm.s32 @!p2 $0x12;
	[sflag:s4] =	ssyncadd.s32 @!p1 $0xFFFFE000;
	p3 =	sne.s32 s7, $0xD0  }
0x26: {  	[tilespmem:s12], [sflag:$0x12] =	stream.linear.gather @!p2 [hbm4b:s9+s11], $0x2000, $0x38;
	[tilespmem:$0x1E900] =	vst v63  }
.Ltmp3:
0x27: {  	_ =	swait.ge @!p2 [sflag:s17], $0x2000;
	(pc) =	sbr.rel @p3 .LBB2_14-.Ltmp3, $4  }
0x28: {  	s0 =	sadd.s32 $0x20000, s0;
	p1 =	por p2, p2;
	[sflag:s17] =	ssyncset.done @!p2 $0x0  }
0x29: {  	s11 =	sadd.s32 s14, s3;
	s4 =	simm.s32 @!p1 $0x11;
	[sflag:s17] =	ssyncadd.s32 @!p1 $0xFFFFE000  }
0x2a: {  	[spmem:s16] =	stream.linear.scatter @!p1 [tilespmem:s12], [sflag:$0x11], $0x2000, $0x38;
	[tilespmem:$0x1E900] =	vst v63  }
0x2b: {  	s9 =	sadd.s32 $0x4000, s9;
	p2 =	sgt.u32 s11, $0xC3;
	_ =	swait.ge @!p1 [sflag:s4], $0x2000  }
0x2c: {  	s7 =	simm.s32 @!p2 $0x0;
	[sflag:s4] =	ssyncset.done @!p1 $0x0  }
0x2d: {  	s11 =	simm.s32 @!p2 $0x4100;
	s12 =	simm.s32 @!p2 $0x12;
	[sflag:s4] =	ssyncadd.s32 @!p1 $0xFFFFE000  }
0x2e: {  	[tilespmem:s11], [sflag:$0x12] =	stream.linear.gather @!p2 [hbm4b:s9+s7], $0x2000, $0x38;
	[tilespmem:$0x1E900] =	vst v63  }
0x2f: {  	_ =	swait.ge @!p2 [sflag:s12], $0x2000  }
0x30: {  	p1 =	por p2, p2;
	[sflag:s12] =	ssyncset.done @!p2 $0x0  }
0x31: {  	s4 =	simm.s32 @!p1 $0x11;
	[sflag:s12] =	ssyncadd.s32 @!p1 $0xFFFFE000  }
0x32: {  	[spmem:s0] =	stream.linear.scatter @!p1 [tilespmem:s11], [sflag:$0x11], $0x2000, $0x38;
	[tilespmem:$0x1E900] =	vst v63  }
.Ltmp4:
0x33: {  	_ =	swait.ge @!p1 [sflag:s4], $0x2000;
	(pc) =	sbr.rel .LBB2_16-.Ltmp4, $4  }
0x34: {  	[sflag:s4] =	ssyncset.done @!p1 $0x0  }
0x35: {  	[sflag:s4] =	ssyncadd.s32 @!p1 $0xFFFFE000  }
0x36: {  	[bflag:$0x0] =	sbarrier.arrive $0xFFFF  }
0x37: {  	s31 =	simm.s32 $0x0  }
.LBB2_20:
0x38: {  	s31 =	sadd.s32 $0x1, s31  }
0x39: {  	p1 =	sne.s32 s31, $0x20  }
.Ltmp5:
0x3a: {  	_ = 	snop;
	(pc) =	sbr.rel @!p1 .LBB2_21-.Ltmp5, $1  }
0x3b: {  	_ =	sdelay $0x3  }
.LBB2_16:
0x3c: {  	s0 =	sshll.u32 s31, $0x4  }
0x3d: {  	s0 =	sor.u32 s3, s0  }
0x3e: {  	p1 =	sgt.u32 s0, $0x1F3  }
.Ltmp6:
0x3f: {  	_ = 	snop;
	(pc) =	sbr.rel @p1 .LBB2_20-.Ltmp6, $1  }
0x40: {  	_ =	sdelay $0x3  }
0x41: {  	s0 =	smul.u32 $0xC80, s0;
	_ =	sdelay $0x1  }
0x42: {  	s4 =	rddreg [dreg:$0x3];
	s0 =	sshrl.u32 s0, $0x3  }
0x43: {  	s0 =	sadd.s32 s4, s0  }
0x44: {  	[tilespmem:s2], [sflag:$0x11] =	stream.linear.gather [hbm4b:s0+s2], $0xC80, $0x38;
	[tilespmem:$0x1E900] =	vst v63  }
0x45: {  	_ =	swait.ge [sflag:s13], $0xC80  }
0x46: {  	[sflag:s13] =	ssyncset.done $0x0  }
0x47: {  	s11 =	simm.s32 $0xC80;
	s0 =	sadd.s32 $0x30D40, s0;
	[sflag:s13] =	ssyncadd.s32 $0xFFFFF380  }
0x48: {  	[tilespmem:s11], [sflag:$0x11] =	stream.linear.gather [hbm4b:s0+s2], $0xC80, $0x38;
	[tilespmem:$0x1E900] =	vst v63  }
0x49: {  	_ =	swait.ge [sflag:s13], $0xC80  }
0x4a: {  	[sflag:s13] =	ssyncset.done $0x0  }
0x4b: {  	s12 =	simm.s32 $0x1900;
	[sflag:s13] =	ssyncadd.s32 $0xFFFFF380  }
0x4c: {  	[tilespmem:s12], [sflag:$0x1] =	stream.indirect.gather [hbm4b:s6+s15], $0x10, s2, s15, $0xb8;
	[tilespmem:$0x1E900] =	vst v63  }
0x4d: {  	s7 =	simm.s32 $0x1E00  }
0x4e: {  	[tilespmem:s7], [sflag:$0x2] =	stream.indirect.gather [hbm4b:s6+s15], $0x10, s15, s15, $0xb8;
	[tilespmem:$0x1E900] =	vst v63  }
0x4f: {  	s9 =	simm.s32 $0xA0  }
0x50: {  	[tilespmem:s19], [sflag:$0x3] =	stream.indirect.gather [hbm4b:s6+s15], $0x10, s9, s15, $0xb8;
	[tilespmem:$0x1E900] =	vst v63  }
0x51: {  	s14 =	simm.s32 $0xF0  }
0x52: {  	[tilespmem:s21], [sflag:$0x4] =	stream.indirect.gather [hbm4b:s6+s15], $0x10, s14, s15, $0xb8;
	[tilespmem:$0x1E900] =	vst v63  }
0x53: {  	_ =	swait.ge [sflag:s22], $0x500  }
0x54: {  	[sflag:s22] =	ssyncset.done $0x0  }
0x55: {  	[sflag:s22] =	ssyncadd.s32 $0xFFFFFB00  }
0x56: {  	[spmem:s1] =	stream.indirect.scatter.add.f32 [tilespmem:s12], [sflag:$0x9], $0x10, s11, s15, $0xb8;
	[tilespmem:$0x1E900] =	vst v63  }
0x57: {  	s16 =	simm.s32 $0x140;
	s17 =	simm.s32 $0x2D00  }
0x58: {  	[tilespmem:s17], [sflag:$0x5] =	stream.indirect.gather [hbm4b:s6+s15], $0x10, s16, s15, $0xb8;
	[tilespmem:$0x1E900] =	vst v63  }
0x59: {  	_ =	swait.ge [sflag:s25], $0x500  }
0x5a: {  	[sflag:s25] =	ssyncset.done $0x0  }
0x5b: {  	s9 =	simm.s32 $0xCD0;
	[sflag:s25] =	ssyncadd.s32 $0xFFFFFB00  }
0x5c: {  	[spmem:s1] =	stream.indirect.scatter.add.f32 [tilespmem:s7], [sflag:$0xA], $0x10, s9, s15, $0xb8;
	[tilespmem:$0x1E900] =	vst v63  }
0x5d: {  	s11 =	simm.s32 $0x190;
	s12 =	simm.s32 $0x3200  }
0x5e: {  	[tilespmem:s12], [sflag:$0x6] =	stream.indirect.gather [hbm4b:s6+s15], $0x10, s11, s15, $0xb8;
	[tilespmem:$0x1E900] =	vst v63  }
0x5f: {  	_ =	swait.ge [sflag:s30], $0x500  }
0x60: {  	[sflag:s30] =	ssyncset.done $0x0  }
0x61: {  	s14 =	simm.s32 $0xD20;
	[sflag:s30] =	ssyncadd.s32 $0xFFFFFB00  }
0x62: {  	[spmem:s1] =	stream.indirect.scatter.add.f32 [tilespmem:s19], [sflag:$0xB], $0x10, s14, s15, $0xb8;
	[tilespmem:$0x1E900] =	vst v63  }
0x63: {  	s16 =	simm.s32 $0x1E0;
	s17 =	simm.s32 $0x3700  }
0x64: {  	[tilespmem:s17], [sflag:$0x7] =	stream.indirect.gather [hbm4b:s6+s15], $0x10, s16, s15, $0xb8;
	[tilespmem:$0x1E900] =	vst v63  }
0x65: {  	p1 =	por $0x0, $0x0;
	_ =	swait.ge [sflag:s8], $0x500  }
0x66: {  	s0 =	simm.s32 $0x280;
	s12 =	simm.s32 $0x4;
	[sflag:s8] =	ssyncset.done $0x0  }
0x67: {  	s7 =	simm.s32 $0xD70;
	s14 =	sand.u32 $0x7, s12;
	[sflag:s8] =	ssyncadd.s32 $0xFFFFFB00  }
0x68: {  	[spmem:s1] =	stream.indirect.scatter.add.f32 [tilespmem:s21], [sflag:$0xC], $0x10, s7, s15, $0xb8;
	[tilespmem:$0x1E900] =	vst v63  }
0x69: {  	s9 =	simm.s32 $0x230;
	s11 =	simm.s32 $0x3C00;
	s16 =	smul.u32 $0x1400, s14  }
0x6a: {  	[tilespmem:s11], [sflag:$0x8] =	stream.indirect.gather [hbm4b:s6+s15], $0x10, s9, s15, $0xb8;
	[tilespmem:$0x1E900] =	vst v63  }
0x6b: {  	s12 =	simm.s32 $0xDC0;
	s7 =	simm.s32 $0x8;
	s11 =	sadd.s32 $0x1, s14  }
0x6c: {  	s17 =	sshrl.u32 s16, $0x2;
	s16 =	sand.u32 @!p1 $0x7, s7;
	_ =	swait.ge [sflag:s11], $0x500  }
0x6d: {  	s7 =	simm.s32 $0x9;
	s14 =	sadd.s32 $0x9, s14;
	[sflag:s11] =	ssyncset.done $0x0  }
0x6e: {  	s9 =	sadd.s32 $0x1900, s17;
	[sflag:s11] =	ssyncadd.s32 $0xFFFFFB00;
	s11 =	smul.u32 @!p1 $0x1400, s16  }
0x6f: {  	[spmem:s1] =	stream.indirect.scatter.add.f32 [tilespmem:s9], [sflag:s14], $0x10, s12, s15, $0xb8;
	[tilespmem:$0x1E900] =	vst v63  }
0x70: {  	s4 =	sadd.s32 @!p1 $0x9, s16;
	s12 =	sadd.s32 @!p1 $0x1, s16;
	s9 =	simm.s32 $0xE10  }
0x71: {  	s16 =	simm.s32 @!p1 $0x50;
	_ =	swait.ge @!p1 [sflag:s4], $0x500;
	s11 =	sshrl.u32 @!p1 s11, $0x2  }
0x72: {  	[sflag:s4] =	ssyncset.done @!p1 $0x0;
	s14 =	sadd.s32 @!p1 $0x1900, s11;
	s11 =	simm.s32 $0x280  }
.LBB2_18:
0x73: {  	[sflag:s4] =	ssyncadd.s32 @!p1 $0xFFFFFB00  }
0x74: {  	s0 =	sadd.s32 $0x50, s0;
	s4 =	smov.u32 s7;
	s7 =	sadd.s32 $0x1, s7  }
0x75: {  	[tilespmem:s14], [sflag:s12] =	stream.indirect.gather @!p1 [hbm4b:s6+s16], $0x10, s11, s16, $0xb8;
	[tilespmem:$0x1E900] =	vst v63  }
0x76: {  	s12 =	sadd.s32 $0xFFFFFFFC, s4;
	p2 =	sne.s32 s7, $0x2C;
	s11 =	smov.u32 s0  }
0x77: {  	s14 =	sand.u32 $0x7, s12  }
0x78: {  	s16 =	smul.u32 $0x1400, s14;
	s17 =	sadd.s32 $0x1, s14  }
0x79: {  	p1 =	sgt.u32 s12, $0x23;
	s14 =	sadd.s32 $0x9, s14;
	_ =	swait.ge [sflag:s17], $0x500  }
0x7a: {  	s12 =	sand.u32 @!p1 $0x7, s4;
	s16 =	sshrl.u32 s16, $0x2;
	[sflag:s17] =	ssyncset.done $0x0  }
.Ltmp7:
0x7b: {  	s16 =	sadd.s32 $0x1900, s16;
	[sflag:s17] =	ssyncadd.s32 $0xFFFFFB00;
	(pc) =	sbr.rel @p2 .LBB2_18-.Ltmp7, $4  }
0x7c: {  	s4 =	sadd.s32 @!p1 $0x9, s12;
	s17 =	smul.u32 @!p1 $0x1400, s12;
	s12 =	sadd.s32 @!p1 $0x1, s12  }
0x7d: {  	[spmem:s1] =	stream.indirect.scatter.add.f32 [tilespmem:s16], [sflag:s14], $0x10, s9, s15, $0xb8;
	[tilespmem:$0x1E900] =	vst v63  }
0x7e: {  	s14 =	sshrl.u32 @!p1 s17, $0x2;
	s9 =	sadd.s32 $0x50, s9;
	_ =	swait.ge @!p1 [sflag:s4], $0x500  }
0x7f: {  	s16 =	simm.s32 @!p1 $0x50;
	s14 =	sadd.s32 @!p1 $0x1900, s14;
	[sflag:s4] =	ssyncset.done @!p1 $0x0  }
0x80: {  	[sflag:s4] =	ssyncadd.s32 @!p1 $0xFFFFFB00  }
0x81: {  	[tilespmem:s14], [sflag:s12] =	stream.indirect.gather @!p1 [hbm4b:s6+s16], $0x10, s11, s16, $0xb8;
	[tilespmem:$0x1E900] =	vst v63  }
0x82: {  	_ =	swait.ge [sflag:s10], $0x500  }
0x83: {  	[sflag:s10] =	ssyncset.done $0x0  }
0x84: {  	[sflag:s10] =	ssyncadd.s32 $0xFFFFFB00  }
0x85: {  	_ =	swait.ge [sflag:s18], $0x500  }
0x86: {  	[sflag:s18] =	ssyncset.done $0x0  }
0x87: {  	[sflag:s18] =	ssyncadd.s32 $0xFFFFFB00  }
0x88: {  	_ =	swait.ge [sflag:s20], $0x500  }
0x89: {  	[sflag:s20] =	ssyncset.done $0x0  }
0x8a: {  	[sflag:s20] =	ssyncadd.s32 $0xFFFFFB00  }
0x8b: {  	_ =	swait.ge [sflag:s23], $0x500  }
0x8c: {  	[sflag:s23] =	ssyncset.done $0x0  }
0x8d: {  	[sflag:s23] =	ssyncadd.s32 $0xFFFFFB00  }
0x8e: {  	_ =	swait.ge [sflag:s24], $0x500  }
0x8f: {  	[sflag:s24] =	ssyncset.done $0x0  }
0x90: {  	[sflag:s24] =	ssyncadd.s32 $0xFFFFFB00  }
0x91: {  	_ =	swait.ge [sflag:s26], $0x500  }
0x92: {  	[sflag:s26] =	ssyncset.done $0x0  }
0x93: {  	[sflag:s26] =	ssyncadd.s32 $0xFFFFFB00  }
0x94: {  	_ =	swait.ge [sflag:s28], $0x500  }
.Ltmp8:
0x95: {  	[sflag:s28] =	ssyncset.done $0x0;
	(pc) =	sbr.rel .LBB2_20-.Ltmp8, $4  }
0x96: {  	[sflag:s28] =	ssyncadd.s32 $0xFFFFFB00  }
0x97: {  	_ =	swait.ge [sflag:s29], $0x500  }
0x98: {  	[sflag:s29] =	ssyncset.done $0x0  }
0x99: {  	[sflag:s29] =	ssyncadd.s32 $0xFFFFFB00  }
.LBB2_2:
0x9a: {  	s0 =	simm.s32 @!p1 $0x0  }
0x9b: {  	s4 =	simm.s32 @!p1 $0x4100;
	s9 =	simm.s32 @!p1 $0x12;
	s11 =	rddreg [dreg:$0x5]  }
0x9c: {  	[tilespmem:s4], [sflag:$0x12] =	stream.linear.gather @!p1 [hbm4b:s11+s0], $0x2000, $0x38;
	[tilespmem:$0x1E900] =	vst v63  }
0x9d: {  	_ =	swait.ge @!p1 [sflag:s9], $0x2000  }
0x9e: {  	[sflag:s9] =	ssyncset.done @!p1 $0x0;
	p1 =	por p1, p1  }
0x9f: {  	s7 =	simm.s32 $0x20;
	[sflag:s9] =	ssyncadd.s32 @!p1 $0xFFFFE000  }
0xa0: {  	[spmem:s16] =	stream.linear.scatter @!p1 [tilespmem:s4], [sflag:$0x11], $0x2000, $0x38;
	[tilespmem:$0x1E900] =	vst v63  }
0xa1: {  	s31 =	sadd.s32 $0x10, s3;
	s0 =	sadd.s32 $0x20000, s16;
	s4 =	simm.s32 @!p1 $0x11  }
0xa2: {  	p2 =	sgt.u32 s31, $0xC3;
	s9 =	sadd.s32 $0x4000, s11;
	_ =	swait.ge @!p1 [sflag:s4], $0x2000  }
.LBB2_3:
0xa3: {  	s11 =	simm.s32 @!p2 $0x0;
	s12 =	simm.s32 @!p2 $0x4100;
	[sflag:s4] =	ssyncset.done @!p1 $0x0  }
0xa4: {  	s14 =	smov.u32 s7;
	s16 =	smov.u32 s0;
	s7 =	sadd.s32 $0x10, s7  }
0xa5: {  	s31 =	simm.s32 @!p2 $0x12;
	[sflag:s4] =	ssyncadd.s32 @!p1 $0xFFFFE000;
	p3 =	sne.s32 s7, $0xD0  }
0xa6: {  	[tilespmem:s12], [sflag:$0x12] =	stream.linear.gather @!p2 [hbm4b:s9+s11], $0x2000, $0x38;
	[tilespmem:$0x1E900] =	vst v63  }
.Ltmp9:
0xa7: {  	_ =	swait.ge @!p2 [sflag:s31], $0x2000;
	(pc) =	sbr.rel @p3 .LBB2_3-.Ltmp9, $4  }
0xa8: {  	s0 =	sadd.s32 $0x20000, s0;
	p1 =	por p2, p2;
	[sflag:s31] =	ssyncset.done @!p2 $0x0  }
0xa9: {  	s11 =	sadd.s32 s14, s3;
	s4 =	simm.s32 @!p1 $0x11;
	[sflag:s31] =	ssyncadd.s32 @!p1 $0xFFFFE000  }
0xaa: {  	[spmem:s16] =	stream.linear.scatter @!p1 [tilespmem:s12], [sflag:$0x11], $0x2000, $0x38;
	[tilespmem:$0x1E900] =	vst v63  }
0xab: {  	s9 =	sadd.s32 $0x4000, s9;
	p2 =	sgt.u32 s11, $0xC3;
	_ =	swait.ge @!p1 [sflag:s4], $0x2000  }
0xac: {  	s7 =	simm.s32 @!p2 $0x0;
	[sflag:s4] =	ssyncset.done @!p1 $0x0  }
0xad: {  	s11 =	simm.s32 @!p2 $0x4100;
	s12 =	simm.s32 @!p2 $0x12;
	[sflag:s4] =	ssyncadd.s32 @!p1 $0xFFFFE000  }
0xae: {  	[tilespmem:s11], [sflag:$0x12] =	stream.linear.gather @!p2 [hbm4b:s9+s7], $0x2000, $0x38;
	[tilespmem:$0x1E900] =	vst v63  }
0xaf: {  	_ =	swait.ge @!p2 [sflag:s12], $0x2000  }
0xb0: {  	p1 =	por p2, p2;
	[sflag:s12] =	ssyncset.done @!p2 $0x0  }
0xb1: {  	s4 =	simm.s32 @!p1 $0x11;
	[sflag:s12] =	ssyncadd.s32 @!p1 $0xFFFFE000  }
0xb2: {  	[spmem:s0] =	stream.linear.scatter @!p1 [tilespmem:s11], [sflag:$0x11], $0x2000, $0x38;
	[tilespmem:$0x1E900] =	vst v63  }
.Ltmp10:
0xb3: {  	_ =	swait.ge @!p1 [sflag:s4], $0x2000;
	(pc) =	sbr.rel .LBB2_5-.Ltmp10, $4  }
0xb4: {  	[sflag:s4] =	ssyncset.done @!p1 $0x0  }
0xb5: {  	[sflag:s4] =	ssyncadd.s32 @!p1 $0xFFFFE000  }
0xb6: {  	[bflag:$0x0] =	sbarrier.arrive $0xFFFF  }
0xb7: {  	s31 =	simm.s32 $0x0  }
.LBB2_8:
0xb8: {  	[sflag:s12] =	ssyncadd.s32 @!p1 $0xFFFFFB00  }
0xb9: {  	[tilespmem:s14], [sflag:s4] =	stream.indirect.gather @!p1 [hbm4b:s5+s16], $0x10, s11, s16, $0xb8;
	[tilespmem:$0x1E900] =	vst v63  }
0xba: {  	_ =	swait.ge [sflag:s10], $0x500  }
0xbb: {  	[sflag:s10] =	ssyncset.done $0x0  }
0xbc: {  	[sflag:s10] =	ssyncadd.s32 $0xFFFFFB00  }
0xbd: {  	_ =	swait.ge [sflag:s18], $0x500  }
0xbe: {  	[sflag:s18] =	ssyncset.done $0x0  }
0xbf: {  	[sflag:s18] =	ssyncadd.s32 $0xFFFFFB00  }
0xc0: {  	_ =	swait.ge [sflag:s20], $0x500  }
0xc1: {  	[sflag:s20] =	ssyncset.done $0x0  }
0xc2: {  	[sflag:s20] =	ssyncadd.s32 $0xFFFFFB00  }
0xc3: {  	_ =	swait.ge [sflag:s23], $0x500  }
0xc4: {  	[sflag:s23] =	ssyncset.done $0x0  }
0xc5: {  	[sflag:s23] =	ssyncadd.s32 $0xFFFFFB00  }
0xc6: {  	_ =	swait.ge [sflag:s24], $0x500  }
0xc7: {  	[sflag:s24] =	ssyncset.done $0x0  }
0xc8: {  	[sflag:s24] =	ssyncadd.s32 $0xFFFFFB00  }
0xc9: {  	_ =	swait.ge [sflag:s26], $0x500  }
0xca: {  	[sflag:s26] =	ssyncset.done $0x0  }
0xcb: {  	[sflag:s26] =	ssyncadd.s32 $0xFFFFFB00  }
0xcc: {  	_ =	swait.ge [sflag:s28], $0x500  }
0xcd: {  	[sflag:s28] =	ssyncset.done $0x0  }
0xce: {  	[sflag:s28] =	ssyncadd.s32 $0xFFFFFB00  }
0xcf: {  	_ =	swait.ge [sflag:s29], $0x500  }
0xd0: {  	[sflag:s29] =	ssyncset.done $0x0  }
0xd1: {  	[sflag:s29] =	ssyncadd.s32 $0xFFFFFB00  }
.LBB2_9:
0xd2: {  	s31 =	sadd.s32 $0x1, s31  }
0xd3: {  	p1 =	sne.s32 s31, $0x20  }
.Ltmp11:
0xd4: {  	_ = 	snop;
	(pc) =	sbr.rel @!p1 .LBB2_10-.Ltmp11, $1  }
0xd5: {  	_ =	sdelay $0x3  }
.LBB2_5:
0xd6: {  	s0 =	sshll.u32 s31, $0x4  }
0xd7: {  	s0 =	sor.u32 s3, s0  }
0xd8: {  	p1 =	sgt.u32 s0, $0x1F3  }
.Ltmp12:
0xd9: {  	_ = 	snop;
	(pc) =	sbr.rel @p1 .LBB2_9-.Ltmp12, $1  }
0xda: {  	_ =	sdelay $0x3  }
0xdb: {  	s0 =	smul.u32 $0xC80, s0;
	_ =	sdelay $0x1  }
0xdc: {  	s4 =	rddreg [dreg:$0x3];
	s0 =	sshrl.u32 s0, $0x3  }
0xdd: {  	s0 =	sadd.s32 s4, s0  }
0xde: {  	[tilespmem:s2], [sflag:$0x11] =	stream.linear.gather [hbm4b:s0+s2], $0xC80, $0x38;
	[tilespmem:$0x1E900] =	vst v63  }
0xdf: {  	_ =	swait.ge [sflag:s13], $0xC80  }
0xe0: {  	[sflag:s13] =	ssyncset.done $0x0  }
0xe1: {  	s14 =	simm.s32 $0xC80;
	s0 =	sadd.s32 $0x30D40, s0;
	[sflag:s13] =	ssyncadd.s32 $0xFFFFF380  }
0xe2: {  	[tilespmem:s14], [sflag:$0x11] =	stream.linear.gather [hbm4b:s0+s2], $0xC80, $0x38;
	[tilespmem:$0x1E900] =	vst v63  }
0xe3: {  	_ =	swait.ge [sflag:s13], $0xC80  }
0xe4: {  	[sflag:s13] =	ssyncset.done $0x0  }
0xe5: {  	s16 =	simm.s32 $0x1900;
	[sflag:s13] =	ssyncadd.s32 $0xFFFFF380  }
0xe6: {  	[tilespmem:s16], [sflag:$0x1] =	stream.indirect.gather [hbm4b:s5+s15], $0x10, s2, s15, $0xb8;
	[tilespmem:$0x1E900] =	vst v63  }
0xe7: {  	s7 =	simm.s32 $0x1E00  }
0xe8: {  	[tilespmem:s7], [sflag:$0x2] =	stream.indirect.gather [hbm4b:s5+s15], $0x10, s15, s15, $0xb8;
	[tilespmem:$0x1E900] =	vst v63  }
0xe9: {  	s9 =	simm.s32 $0xA0  }
0xea: {  	[tilespmem:s19], [sflag:$0x3] =	stream.indirect.gather [hbm4b:s5+s15], $0x10, s9, s15, $0xb8;
	[tilespmem:$0x1E900] =	vst v63  }
0xeb: {  	s17 =	simm.s32 $0xF0  }
0xec: {  	[tilespmem:s21], [sflag:$0x4] =	stream.indirect.gather [hbm4b:s5+s15], $0x10, s17, s15, $0xb8;
	[tilespmem:$0x1E900] =	vst v63  }
0xed: {  	_ =	swait.ge [sflag:s22], $0x500  }
0xee: {  	[sflag:s22] =	ssyncset.done $0x0  }
0xef: {  	[sflag:s22] =	ssyncadd.s32 $0xFFFFFB00  }
0xf0: {  	[spmem:s1] =	stream.indirect.scatter.add.f32 [tilespmem:s16], [sflag:$0x9], $0x10, s14, s15, $0xb8;
	[tilespmem:$0x1E900] =	vst v63  }
0xf1: {  	s11 =	simm.s32 $0x2D00;
	s9 =	simm.s32 $0x140  }
0xf2: {  	[tilespmem:s11], [sflag:$0x5] =	stream.indirect.gather [hbm4b:s5+s15], $0x10, s9, s15, $0xb8;
	[tilespmem:$0x1E900] =	vst v63  }
0xf3: {  	_ =	swait.ge [sflag:s25], $0x500  }
0xf4: {  	[sflag:s25] =	ssyncset.done $0x0  }
0xf5: {  	s12 =	simm.s32 $0xCD0;
	[sflag:s25] =	ssyncadd.s32 $0xFFFFFB00  }
0xf6: {  	[spmem:s1] =	stream.indirect.scatter.add.f32 [tilespmem:s7], [sflag:$0xA], $0x10, s12, s15, $0xb8;
	[tilespmem:$0x1E900] =	vst v63  }
0xf7: {  	s14 =	simm.s32 $0x190;
	s16 =	simm.s32 $0x3200  }
0xf8: {  	[tilespmem:s16], [sflag:$0x6] =	stream.indirect.gather [hbm4b:s5+s15], $0x10, s14, s15, $0xb8;
	[tilespmem:$0x1E900] =	vst v63  }
0xf9: {  	_ =	swait.ge [sflag:s30], $0x500  }
0xfa: {  	[sflag:s30] =	ssyncset.done $0x0  }
0xfb: {  	s17 =	simm.s32 $0xD20;
	[sflag:s30] =	ssyncadd.s32 $0xFFFFFB00  }
0xfc: {  	[spmem:s1] =	stream.indirect.scatter.add.f32 [tilespmem:s19], [sflag:$0xB], $0x10, s17, s15, $0xb8;
	[tilespmem:$0x1E900] =	vst v63  }
0xfd: {  	s4 =	simm.s32 $0x1E0;
	s7 =	simm.s32 $0x3700  }
0xfe: {  	[tilespmem:s7], [sflag:$0x7] =	stream.indirect.gather [hbm4b:s5+s15], $0x10, s4, s15, $0xb8;
	[tilespmem:$0x1E900] =	vst v63  }
0xff: {  	p1 =	por $0x0, $0x0;
	_ =	swait.ge [sflag:s8], $0x500  }
0x100: {  	s0 =	simm.s32 $0x280;
	s14 =	simm.s32 $0x4;
	[sflag:s8] =	ssyncset.done $0x0  }
0x101: {  	s9 =	simm.s32 $0xD70;
	s16 =	sand.u32 $0x7, s14;
	[sflag:s8] =	ssyncadd.s32 $0xFFFFFB00  }
0x102: {  	[spmem:s1] =	stream.indirect.scatter.add.f32 [tilespmem:s21], [sflag:$0xC], $0x10, s9, s15, $0xb8;
	[tilespmem:$0x1E900] =	vst v63  }
0x103: {  	s11 =	simm.s32 $0x230;
	s12 =	simm.s32 $0x3C00;
	s17 =	smul.u32 $0x1400, s16  }
0x104: {  	[tilespmem:s12], [sflag:$0x8] =	stream.indirect.gather [hbm4b:s5+s15], $0x10, s11, s15, $0xb8;
	[tilespmem:$0x1E900] =	vst v63  }
0x105: {  	s14 =	simm.s32 $0xDC0;
	s7 =	simm.s32 $0x8;
	s11 =	sadd.s32 $0x1, s16  }
0x106: {  	s4 =	sadd.s32 $0x9, s16;
	s9 =	sshrl.u32 s17, $0x2;
	_ =	swait.ge [sflag:s11], $0x500  }
0x107: {  	s9 =	sadd.s32 $0x1900, s9;
	s16 =	sand.u32 @!p1 $0x7, s7;
	[sflag:s11] =	ssyncset.done $0x0  }
0x108: {  	s7 =	simm.s32 $0x9;
	[sflag:s11] =	ssyncadd.s32 $0xFFFFFB00;
	s11 =	smul.u32 @!p1 $0x1400, s16  }
0x109: {  	[spmem:s1] =	stream.indirect.scatter.add.f32 [tilespmem:s9], [sflag:s4], $0x10, s14, s15, $0xb8;
	[tilespmem:$0x1E900] =	vst v63  }
0x10a: {  	s12 =	sadd.s32 @!p1 $0x9, s16;
	s4 =	sadd.s32 @!p1 $0x1, s16;
	s9 =	simm.s32 $0xE10  }
0x10b: {  	s16 =	simm.s32 @!p1 $0x50;
	_ =	swait.ge @!p1 [sflag:s12], $0x500;
	s11 =	sshrl.u32 @!p1 s11, $0x2  }
0x10c: {  	[sflag:s12] =	ssyncset.done @!p1 $0x0;
	s14 =	sadd.s32 @!p1 $0x1900, s11;
	s11 =	simm.s32 $0x280  }
.LBB2_7:
0x10d: {  	[sflag:s12] =	ssyncadd.s32 @!p1 $0xFFFFFB00  }
0x10e: {  	s0 =	sadd.s32 $0x50, s0;
	s12 =	smov.u32 s7;
	s7 =	sadd.s32 $0x1, s7  }
0x10f: {  	[tilespmem:s14], [sflag:s4] =	stream.indirect.gather @!p1 [hbm4b:s5+s16], $0x10, s11, s16, $0xb8;
	[tilespmem:$0x1E900] =	vst v63  }
0x110: {  	s4 =	sadd.s32 $0xFFFFFFFC, s12;
	p2 =	sne.s32 s7, $0x2C;
	s11 =	smov.u32 s0  }
0x111: {  	s14 =	sand.u32 $0x7, s4  }
0x112: {  	s16 =	smul.u32 $0x1400, s14;
	s17 =	sadd.s32 $0x1, s14  }
0x113: {  	p1 =	sgt.u32 s4, $0x23;
	s14 =	sadd.s32 $0x9, s14;
	_ =	swait.ge [sflag:s17], $0x500  }
0x114: {  	s4 =	sand.u32 @!p1 $0x7, s12;
	s16 =	sshrl.u32 s16, $0x2;
	[sflag:s17] =	ssyncset.done $0x0  }
.Ltmp13:
0x115: {  	s16 =	sadd.s32 $0x1900, s16;
	[sflag:s17] =	ssyncadd.s32 $0xFFFFFB00;
	(pc) =	sbr.rel @p2 .LBB2_7-.Ltmp13, $4  }
0x116: {  	s12 =	sadd.s32 @!p1 $0x9, s4;
	s17 =	smul.u32 @!p1 $0x1400, s4;
	s4 =	sadd.s32 @!p1 $0x1, s4  }
0x117: {  	[spmem:s1] =	stream.indirect.scatter.add.f32 [tilespmem:s16], [sflag:s14], $0x10, s9, s15, $0xb8;
	[tilespmem:$0x1E900] =	vst v63  }
0x118: {  	s14 =	sshrl.u32 @!p1 s17, $0x2;
	s9 =	sadd.s32 $0x50, s9;
	_ =	swait.ge @!p1 [sflag:s12], $0x500  }
0x119: {  	s16 =	simm.s32 @!p1 $0x50;
	s14 =	sadd.s32 @!p1 $0x1900, s14;
	[sflag:s12] =	ssyncset.done @!p1 $0x0  }
.Ltmp14:
0x11a: {  	_ = 	snop;
	(pc) =	sbr.rel .LBB2_8-.Ltmp14, $1  }
0x11b: {  	_ =	sdelay $0x3  }
.LBB2_21:
0x11c: {  	s0 =	sadd.s32 $0x0, s3;
	[bflag:$0x0] =	sbarrier.arrive $0xFFFF  }
0x11d: {  	p1 =	sgt.u32 s0, $0xC3;
	s16 =	rddreg [dreg:$0x7]  }
0x11e: {  	s0 =	simm.s32 @!p1 $0x4100;
	s4 =	simm.s32 @!p1 $0x12;
	p1 =	por p1, p1  }
0x11f: {  	[tilespmem:s0], [sflag:$0x12] =	stream.linear.gather @!p1 [spmem:s16], $0x2000, $0x38;
	[tilespmem:$0x1E900] =	vst v63  }
0x120: {  	_ =	swait.ge @!p1 [sflag:s4], $0x2000  }
0x121: {  	s31 =	sadd.s32 $0x10, s3;
	s9 =	simm.s32 @!p1 $0x0;
	[sflag:s4] =	ssyncset.done @!p1 $0x0  }
0x122: {  	s11 =	rddreg [dreg:$0x9];
	[sflag:s4] =	ssyncadd.s32 @!p1 $0xFFFFE000;
	s4 =	simm.s32 @!p1 $0x11  }
0x123: {  	[hbm4b:s11+s9] =	stream.linear.scatter @!p1 [tilespmem:s0], [sflag:$0x11], $0x2000, $0x38;
	[tilespmem:$0x1E900] =	vst v63  }
0x124: {  	s7 =	simm.s32 $0x20;
	p2 =	sgt.u32 s31, $0xC3;
	_ =	swait.ge @!p1 [sflag:s4], $0x2000  }
0x125: {  	s0 =	sadd.s32 $0x4000, s11;
	s9 =	sadd.s32 $0x20000, s16;
	[sflag:s4] =	ssyncset.done @!p1 $0x0  }
.LBB2_22:
0x126: {  	s11 =	simm.s32 @!p2 $0x4100;
	s12 =	simm.s32 @!p2 $0x12;
	[sflag:s4] =	ssyncadd.s32 @!p1 $0xFFFFE000  }
0x127: {  	s14 =	smov.u32 s7;
	p1 =	por p2, p2;
	s7 =	sadd.s32 $0x10, s7  }
0x128: {  	[tilespmem:s11], [sflag:$0x12] =	stream.linear.gather @!p1 [spmem:s9], $0x2000, $0x38;
	[tilespmem:$0x1E900] =	vst v63  }
0x129: {  	p3 =	sne.s32 s7, $0xD0;
	_ =	swait.ge @!p1 [sflag:s12], $0x2000  }
.Ltmp15:
0x12a: {  	[sflag:s12] =	ssyncset.done @!p1 $0x0;
	(pc) =	sbr.rel @p3 .LBB2_22-.Ltmp15, $4  }
0x12b: {  	s4 =	simm.s32 @!p1 $0x11;
	[sflag:s12] =	ssyncadd.s32 @!p1 $0xFFFFE000;
	s12 =	simm.s32 @!p1 $0x0  }
0x12c: {  	[hbm4b:s0+s12] =	stream.linear.scatter @!p1 [tilespmem:s11], [sflag:$0x11], $0x2000, $0x38;
	[tilespmem:$0x1E900] =	vst v63  }
0x12d: {  	s11 =	sadd.s32 s14, s3;
	s0 =	sadd.s32 $0x4000, s0;
	_ =	swait.ge @!p1 [sflag:s4], $0x2000  }
0x12e: {  	s9 =	sadd.s32 $0x20000, s9;
	p2 =	sgt.u32 s11, $0xC3;
	[sflag:s4] =	ssyncset.done @!p1 $0x0  }
0x12f: {  	s7 =	simm.s32 @!p2 $0x4100  }
0x130: {  	s11 =	simm.s32 @!p2 $0x12;
	[sflag:s4] =	ssyncadd.s32 @!p1 $0xFFFFE000;
	p1 =	por p2, p2  }
0x131: {  	[tilespmem:s7], [sflag:$0x12] =	stream.linear.gather @!p1 [spmem:s9], $0x2000, $0x38;
	[tilespmem:$0x1E900] =	vst v63  }
0x132: {  	_ =	swait.ge @!p1 [sflag:s11], $0x2000  }
0x133: {  	s4 =	simm.s32 @!p1 $0x0;
	[sflag:s11] =	ssyncset.done @!p1 $0x0  }
.Ltmp16:
0x134: {  	s9 =	simm.s32 @!p1 $0x11;
	[sflag:s11] =	ssyncadd.s32 @!p1 $0xFFFFE000;
	(pc) =	sbr.rel .LBB2_24-.Ltmp16, $4  }
0x135: {  	[hbm4b:s0+s4] =	stream.linear.scatter @!p1 [tilespmem:s7], [sflag:$0x11], $0x2000, $0x38;
	[tilespmem:$0x1E900] =	vst v63  }
0x136: {  	_ =	swait.ge @!p1 [sflag:s9], $0x2000  }
0x137: {  	[sflag:s9] =	ssyncset.done @!p1 $0x0  }
0x138: {  	s4 =	rddreg [dreg:$0xa];
	[sflag:s9] =	ssyncadd.s32 @!p1 $0xFFFFE000  }
.LBB2_10:
0x139: {  	s0 =	sadd.s32 $0x0, s3;
	[bflag:$0x0] =	sbarrier.arrive $0xFFFF  }
0x13a: {  	p1 =	sgt.u32 s0, $0xC3;
	s16 =	rddreg [dreg:$0x7]  }
0x13b: {  	s0 =	simm.s32 @!p1 $0x4100;
	s4 =	simm.s32 @!p1 $0x12;
	p1 =	por p1, p1  }
0x13c: {  	[tilespmem:s0], [sflag:$0x12] =	stream.linear.gather @!p1 [spmem:s16], $0x2000, $0x38;
	[tilespmem:$0x1E900] =	vst v63  }
0x13d: {  	_ =	swait.ge @!p1 [sflag:s4], $0x2000  }
0x13e: {  	s31 =	sadd.s32 $0x10, s3;
	s9 =	simm.s32 @!p1 $0x0;
	[sflag:s4] =	ssyncset.done @!p1 $0x0  }
0x13f: {  	s11 =	rddreg [dreg:$0x6];
	[sflag:s4] =	ssyncadd.s32 @!p1 $0xFFFFE000;
	s4 =	simm.s32 @!p1 $0x11  }
0x140: {  	[hbm4b:s11+s9] =	stream.linear.scatter @!p1 [tilespmem:s0], [sflag:$0x11], $0x2000, $0x38;
	[tilespmem:$0x1E900] =	vst v63  }
0x141: {  	s7 =	simm.s32 $0x20;
	p2 =	sgt.u32 s31, $0xC3;
	_ =	swait.ge @!p1 [sflag:s4], $0x2000  }
0x142: {  	s0 =	sadd.s32 $0x4000, s11;
	s9 =	sadd.s32 $0x20000, s16;
	[sflag:s4] =	ssyncset.done @!p1 $0x0  }
.LBB2_11:
0x143: {  	s11 =	simm.s32 @!p2 $0x4100;
	s12 =	simm.s32 @!p2 $0x12;
	[sflag:s4] =	ssyncadd.s32 @!p1 $0xFFFFE000  }
0x144: {  	s14 =	smov.u32 s7;
	p1 =	por p2, p2;
	s7 =	sadd.s32 $0x10, s7  }
0x145: {  	[tilespmem:s11], [sflag:$0x12] =	stream.linear.gather @!p1 [spmem:s9], $0x2000, $0x38;
	[tilespmem:$0x1E900] =	vst v63  }
0x146: {  	p3 =	seq.s32 s7, $0xD0;
	_ =	swait.ge @!p1 [sflag:s12], $0x2000  }
.Ltmp17:
0x147: {  	[sflag:s12] =	ssyncset.done @!p1 $0x0;
	(pc) =	sbr.rel @!p3 .LBB2_11-.Ltmp17, $4  }
0x148: {  	s4 =	simm.s32 @!p1 $0x11;
	[sflag:s12] =	ssyncadd.s32 @!p1 $0xFFFFE000;
	s12 =	simm.s32 @!p1 $0x0  }
0x149: {  	[hbm4b:s0+s12] =	stream.linear.scatter @!p1 [tilespmem:s11], [sflag:$0x11], $0x2000, $0x38;
	[tilespmem:$0x1E900] =	vst v63  }
0x14a: {  	s11 =	sadd.s32 s14, s3;
	s0 =	sadd.s32 $0x4000, s0;
	_ =	swait.ge @!p1 [sflag:s4], $0x2000  }
0x14b: {  	s9 =	sadd.s32 $0x20000, s9;
	p2 =	sgt.u32 s11, $0xC3;
	[sflag:s4] =	ssyncset.done @!p1 $0x0  }
0x14c: {  	s7 =	simm.s32 @!p2 $0x4100  }
0x14d: {  	s11 =	simm.s32 @!p2 $0x12;
	[sflag:s4] =	ssyncadd.s32 @!p1 $0xFFFFE000;
	p1 =	por p2, p2  }
0x14e: {  	[tilespmem:s7], [sflag:$0x12] =	stream.linear.gather @!p1 [spmem:s9], $0x2000, $0x38;
	[tilespmem:$0x1E900] =	vst v63  }
0x14f: {  	_ =	swait.ge @!p1 [sflag:s11], $0x2000  }
0x150: {  	s4 =	simm.s32 @!p1 $0x0;
	[sflag:s11] =	ssyncset.done @!p1 $0x0  }
.Ltmp18:
0x151: {  	s9 =	simm.s32 @!p1 $0x11;
	[sflag:s11] =	ssyncadd.s32 @!p1 $0xFFFFE000;
	(pc) =	sbr.rel .LBB2_24-.Ltmp18, $4  }
0x152: {  	[hbm4b:s0+s4] =	stream.linear.scatter @!p1 [tilespmem:s7], [sflag:$0x11], $0x2000, $0x38;
	[tilespmem:$0x1E900] =	vst v63  }
0x153: {  	_ =	swait.ge @!p1 [sflag:s9], $0x2000  }
0x154: {  	[sflag:s9] =	ssyncset.done @!p1 $0x0  }
0x155: {  	s4 =	rddreg [dreg:$0xa];
	[sflag:s9] =	ssyncadd.s32 @!p1 $0xFFFFE000  }
.LBB2_25:
0x156: {  	_ =	sfence.sel $0x180000  }
0x157: {  	[bflag:$0x0] =	sbarrier.arrive $0xFFFF  }
0x158: {  	_ =	strace $0x90000047  }
0x159: {  	[bflag:$0x2] =	sbarrier.arrive $0xFFFF  }
0x15a: {  	p0 =	sne.s32 s3, $0x0;
	s0 =	rddreg [dreg:$0x2]  }
0x15b: {  	s0 =	sadd.s32 @!p0 $0x100000, s0  }
0x15c: {  	[sflag:s0] =	ssyncadd.tile.s32 @!p0 $0x1;
	_ =	shalt  }
.Lfunc_end2:
_tile_overlayer_lowered:
.L_overlay_start_2:
0x15d: {  	(tag) =	ssettag $0x2  }
0x15e: {  	s0 =	rddreg [dreg:$0x0];
	s2 =	stileid.u32  }
0x15f: {  	s1 =	rddreg [dreg:$0x1];
	p0 =	sne.s32 s2, $0x0  }
0x160: {  	s3 =	rddreg [dreg:$0x2];
	[bflag:$0x3] =	sbarrier.arrive $0xFFFF;
	s2 =	simm.s32 @!p0 $0x1C11  }
0x161: {  	[timem:s3], [sflag:s2] =	dma.local @!p0 [hbm:s0], s1  }
0x162: {  	s0 =	simm.s32 @!p0 $0x11  }
0x163: {  	_ =	swait.ge @!p0 [sflag:s0], s1  }
0x164: {  	s1 =	ssub.s32 @!p0 $0x0, s1;
	[sflag:s0] =	ssyncset.done @!p0 $0x0  }
0x165: {  	[sflag:s0] =	ssyncadd.s32 @!p0 s1  }
0x166: {  	[bflag:$0x3] =	sbarrier.arrive $0xFFFF  }
0x167: {  	_ =	shalt  }

</sc_bundles>
